<compile_context>
chip_gen: v7x
topology: tpu7x:2x2x1
jax: 0.10.2.dev20260603
libtpu: 0.0.44.dev20260713+nightly
codegen_flags: <defaults>
</compile_context>

<pallas_src>
import functools

import jax
import jax.numpy as jnp
from jax import lax
from jax.experimental import pallas as pl
from jax.experimental.pallas import tpu as pltpu
from jax.experimental.pallas import tpu_sc as plsc

N = 10000
E = 160000
S = 2 * E
D_EDGE = 16
NW = 32
PW = S // NW
NA, NB = 80, 128
CH = 400
BLK = 256

_mesh = plsc.VectorSubcoreMesh(core_axis_name="c", subcore_axis_name="s")
_sc_params = pltpu.CompilerParams(needs_layout_passes=False)


def _wid():
    return lax.axis_index("s") * 2 + lax.axis_index("c")


def _interleave(ei_hbm, w, nd_v, u_v, v_v):
    e0 = w * (PW // 2)
    pltpu.sync_copy(ei_hbm.at[pl.ds(e0, PW // 2 + 8)], u_v)
    pltpu.sync_copy(ei_hbm.at[pl.ds(E + e0, PW // 2 + 8)], v_v)
    lanes = lax.iota(jnp.int32, 16)

    def ibody(t, _):
        sl = pl.ds(t * 16, 16)
        tgt = (t * 16 + lanes) * 2
        plsc.store_scatter(nd_v.at[:], [tgt], u_v[sl])
        plsc.store_scatter(nd_v.at[:], [tgt + 1], v_v[sl])
        return 0

    lax.fori_loop(0, (PW // 2 + 15) // 16, ibody, 0, unroll=4)


@functools.partial(
    pl.kernel, mesh=_mesh,
    out_type=jax.ShapeDtypeStruct((NW, NA, NB), jnp.int32),
    compiler_params=_sc_params,
    scratch_types=[
        pltpu.VMEM((PW + 16,), jnp.int32),
        pltpu.VMEM((NA, NB), jnp.int32),
        pltpu.VMEM((PW // 2 + 8,), jnp.int32),
        pltpu.VMEM((PW // 2 + 8,), jnp.int32),
    ],
)
def _k1_hist(ei_hbm, hist_hbm, nd_v, h_v, u_v, v_v):
    w = _wid()
    _interleave(ei_hbm, w, nd_v, u_v, v_v)
    zeros = jnp.zeros((16,), jnp.int32)

    def zbody(m, _):
        h_v[m >> 3, pl.ds((m & 7) * 16, 16)] = zeros
        return 0

    lax.fori_loop(0, NA * 8, zbody, 0, unroll=4)
    ones = jnp.ones((16,), jnp.int32)

    def body(t, _):
        nd = nd_v[pl.ds(t * 16, 16)]
        plsc.addupdate_scatter(h_v.at[:, :], [nd >> 7, nd & 127], ones)
        return 0

    lax.fori_loop(0, PW // 16, body, 0, unroll=4)
    pltpu.sync_copy(h_v, hist_hbm.at[w])


def _k2a_body(h_ref, bases_ref, deg2_ref, acc, offs, deg2s):
    i = pl.program_id(0)

    @pl.when(i == 0)
    def _():
        acc[...] = jnp.zeros_like(acc)
        offs[...] = jnp.zeros_like(offs)
        deg2s[...] = jnp.zeros_like(deg2s)

    h = h_ref[0].astype(jnp.float32)

    @pl.when(i < NW)
    def _():
        bases_ref[0] = jnp.zeros((NA, NB), jnp.int32)
        acc[...] = acc[...] + h

        @pl.when(i == NW - 1)
        def _():
            a = acc[...]
            r1 = lax.broadcasted_iota(jnp.int32, (NB, NB), 0)
            c1 = lax.broadcasted_iota(jnp.int32, (NB, NB), 1)
            tri_u = (r1 <= c1).astype(jnp.float32)
            incl = jnp.dot(a, tri_u, preferred_element_type=jnp.float32, precision=lax.Precision.HIGHEST)
            rowsum = jnp.sum(a, axis=1, keepdims=True)
            r2 = lax.broadcasted_iota(jnp.int32, (NA, NA), 0)
            c2 = lax.broadcasted_iota(jnp.int32, (NA, NA), 1)
            tri_l = (r2 > c2).astype(jnp.float32)
            rowpre = jnp.dot(tri_l, rowsum, preferred_element_type=jnp.float32, precision=lax.Precision.HIGHEST)
            offs[...] = incl - a + rowpre
            deg2s[...] = jnp.maximum(a * a, 1.0)
            acc[...] = jnp.zeros_like(acc)

    @pl.when(i >= NW)
    def _():
        bases_ref[0] = (offs[...] + acc[...]).astype(jnp.int32)
        acc[...] = acc[...] + h

    deg2_ref[...] = deg2s[...]


def _k2a(hist):
    return pl.pallas_call(
        _k2a_body,
        grid=(2 * NW,),
        in_specs=[pl.BlockSpec((1, NA, NB), lambda i: (i % NW, 0, 0))],
        out_specs=[
            pl.BlockSpec((1, NA, NB), lambda i: (i % NW, 0, 0)),
            pl.BlockSpec((NA, NB), lambda i: (0, 0)),
        ],
        out_shape=[
            jax.ShapeDtypeStruct((NW, NA, NB), jnp.int32),
            jax.ShapeDtypeStruct((NA, NB), jnp.float32),
        ],
        scratch_shapes=[
            pltpu.VMEM((NA, NB), jnp.float32),
            pltpu.VMEM((NA, NB), jnp.float32),
            pltpu.VMEM((NA, NB), jnp.float32),
        ],
    )(hist)


def _k2c_body(ns_ref, out_ref, carry_ref):
    i = pl.program_id(0)

    @pl.when(i == 0)
    def _():
        carry_ref[...] = jnp.zeros_like(carry_ref)

    blk = ns_ref[...]
    r = lax.broadcasted_iota(jnp.int32, (BLK, BLK), 0)
    c = lax.broadcasted_iota(jnp.int32, (BLK, BLK), 1)
    tri = (r >= c).astype(jnp.float32)
    cs = jnp.dot(tri, blk, preferred_element_type=jnp.float32) + carry_ref[...]
    out_ref[...] = cs
    carry_ref[...] = cs[BLK - 1:BLK, :]


def _k2c_cumsum(ns):
    n_pad, d = ns.shape
    return pl.pallas_call(
        _k2c_body,
        grid=(n_pad // BLK,),
        in_specs=[pl.BlockSpec((BLK, d), lambda i: (i, 0))],
        out_specs=pl.BlockSpec((BLK, d), lambda i: (i, 0)),
        out_shape=jax.ShapeDtypeStruct((n_pad, d), jnp.float32),
        scratch_shapes=[pltpu.VMEM((1, d), jnp.float32)],
    )(ns)


TPS = S // 16


@functools.partial(
    pl.kernel, mesh=_mesh,
    out_type=jax.ShapeDtypeStruct((2 * S,), jnp.int32),
    compiler_params=_sc_params,
    scratch_types=[
        pltpu.VMEM((PW + 16,), jnp.int32),
        pltpu.VMEM((NA, NB), jnp.int32),
        pltpu.VMEM((PW,), jnp.int32),
        pltpu.VMEM((PW,), jnp.int32),
        pltpu.VMEM((TPS,), jnp.int32),
        pltpu.VMEM((PW // 2 + 8,), jnp.int32),
        pltpu.VMEM((PW // 2 + 8,), jnp.int32),
        pltpu.VMEM_SHARED((S,), jnp.int32),
        pltpu.SemaphoreType.DMA,
    ],
)
def _k3_rank(ei_hbm, bases_hbm, perm2_hbm, nd_v, cnt_v, pos_v, eid_v,
             sp_v, u_v, v_v, shared, sem):
    c = lax.axis_index("c")
    sid = lax.axis_index("s")
    w = sid * 2 + c
    zeros = jnp.zeros((16,), jnp.int32)

    def zbody(m, _):
        sp_v[pl.ds(m * 16, 16)] = zeros
        return 0

    lax.fori_loop(0, TPS // 16, zbody, 0, unroll=4)
    pltpu.sync_copy(sp_v, shared.at[pl.ds(sid * TPS, TPS)])
    _interleave(ei_hbm, w, nd_v, u_v, v_v)
    pltpu.sync_copy(bases_hbm.at[w], cnt_v)
    plsc.subcore_barrier()
    lanes = lax.iota(jnp.int32, 16)
    g0 = w * PW

    def body(t, _):
        sl = pl.ds(t * 16, 16)
        nd = nd_v[sl]
        hi = nd >> 7
        lo = nd & 127
        occ, last = plsc.scan_count(nd)
        base = plsc.load_gather(cnt_v.at[:, :], [hi, lo])
        pos_v[sl] = base + occ - 1
        plsc.store_scatter(cnt_v.at[:, :], [hi, lo], base + occ, mask=last)
        eid_v[sl] = (g0 + t * 16 + lanes) >> 1
        return 0

    lax.fori_loop(0, PW // 16, body, 0, unroll=2)
    pltpu.sync_copy(eid_v, shared.at[pos_v], add=True)
    plsc.subcore_barrier()
    pltpu.sync_copy(shared.at[pl.ds(sid * TPS, TPS)], sp_v)
    pltpu.sync_copy(sp_v, perm2_hbm.at[pl.ds(c * S + sid * TPS, TPS)])


NCH = PW // CH


@functools.partial(
    pl.kernel, mesh=_mesh,
    out_type=jax.ShapeDtypeStruct((S * D_EDGE,), jnp.float32),
    compiler_params=_sc_params,
    scratch_types=[
        pltpu.VMEM((PW,), jnp.int32),
        pltpu.VMEM((PW,), jnp.int32),
        pltpu.VMEM((CH, 128), jnp.float32),
        pltpu.VMEM((CH, 128), jnp.float32),
        pltpu.VMEM((CH * D_EDGE,), jnp.float32),
        pltpu.SemaphoreType.DMA,
        pltpu.SemaphoreType.DMA,
    ],
)
def _k4_gather(dup_hbm, perm2_hbm, out_hbm, pa_v, pb_v, st0, st1, cmp_v,
               sem0, sem1):
    w = _wid()
    base = w * PW
    pltpu.sync_copy(perm2_hbm.at[pl.ds(base, PW)], pa_v)
    pltpu.sync_copy(perm2_hbm.at[pl.ds(S + base, PW)], pb_v)

    def mbody(t, _):
        sl = pl.ds(t * 16, 16)
        pa_v[sl] = pa_v[sl] + pb_v[sl]
        return 0

    lax.fori_loop(0, PW // 16, mbody, 0, unroll=4)

    def compact_out(st, c):
        def rbody(j, _):
            cmp_v[pl.ds(j * D_EDGE, D_EDGE)] = st[j, pl.ds(0, D_EDGE)]
            return 0

        lax.fori_loop(0, CH, rbody, 0, unroll=8)
        pltpu.sync_copy(
            cmp_v, out_hbm.at[pl.ds((base + c * CH) * D_EDGE, CH * D_EDGE)])

    pltpu.async_copy(dup_hbm.at[pa_v.at[pl.ds(0, CH)]], st0, sem0)

    def chunk_body(k, _):
        c0 = k * 2
        pltpu.make_async_copy(dup_hbm.at[pa_v.at[pl.ds(0, CH)]], st0, sem0).wait()

        @pl.when(c0 + 1 < NCH)
        def _():
            pltpu.async_copy(
                dup_hbm.at[pa_v.at[pl.ds((c0 + 1) * CH, CH)]], st1, sem1)

        compact_out(st0, c0)

        @pl.when(c0 + 1 < NCH)
        def _():
            pltpu.make_async_copy(
                dup_hbm.at[pa_v.at[pl.ds(0, CH)]], st1, sem1).wait()

            @pl.when(c0 + 2 < NCH)
            def _():
                pltpu.async_copy(
                    dup_hbm.at[pa_v.at[pl.ds((c0 + 2) * CH, CH)]], st0, sem0)

            compact_out(st1, c0 + 1)

        return 0

    lax.fori_loop(0, (NCH + 1) // 2, chunk_body, 0)


def kernel(x, edge_index, edge_attr):
    ei_flat = jnp.pad(edge_index.astype(jnp.int32).reshape(-1), (0, 16))

    dup = jnp.repeat(edge_attr, 8, axis=0).reshape(E, 128)

    hist = _k1_hist(ei_flat)
    bases, deg2_2d = _k2a(hist)
    perm2 = _k3_rank(ei_flat, bases)
    out_flat = _k4_gather(dup, perm2)
    out_edge_attr = out_flat.reshape(S, D_EDGE)

    deg2 = deg2_2d.reshape(-1)[:N, None]
    ns = deg2 * x
    n_pad = ((N + BLK - 1) // BLK) * BLK
    ns_p = jnp.pad(ns, ((0, n_pad - N), (0, 0)))
    cs = _k2c_cumsum(ns_p)
    out_x = cs[:N] / deg2
    return (out_x, out_edge_attr)

# --- scband reference (transcript-rebuilt; emitter-appended) ---
"""Pipeline reference for scband-line-wrapper-25786983645443 (READ-ONLY COPY).

The authoritative reference and input builder live on the scoring server;
editing this copy changes nothing except your own understanding.
"""

import jax, jax.numpy as jnp
import numpy as np

N = 10000
E = 160000
D_FEAT = 128
D_EDGE = 16

def _gen_edges():
    # Unique, non-reciprocal (u < v is never paired with v < u since every
    # stored pair is canonicalized lo<hi and deduplicated), no self loops.
    # Under these conditions average_reciprocal_edges() is an exact identity
    # (the sequential dict fold never hits the averaging branches).
    rng = np.random.default_rng(0)
    u = rng.integers(0, N, size=3 * E)
    v = rng.integers(0, N, size=3 * E)
    m = u != v
    u, v = u[m], v[m]
    lo = np.minimum(u, v).astype(np.int64)
    hi = np.maximum(u, v).astype(np.int64)
    codes = np.unique(lo * N + hi)
    perm = rng.permutation(codes.shape[0])
    sel = codes[perm[:E]]
    return np.stack([sel // N, sel % N]).astype(np.int64)

def setup_inputs(seed: int = 0):
    key = jax.random.key(seed)
    k1, k2 = jax.random.split(key)
    x = jax.random.normal(k1, (N, D_FEAT), dtype=jnp.float32)
    edge_attr = jax.random.normal(k2, (E, D_EDGE), dtype=jnp.float32)
    edge_index = jnp.asarray(_gen_edges())
    return {"x": x, "edge_index": edge_index, "edge_attr": edge_attr}

def reference(x, edge_index, edge_attr):
    # LineWrapper.forward with line_module = identity: (nx, ei, ea, s) -> (nx, ea, None).
    u, v = edge_index[0], edge_index[1]
    e = edge_index.shape[1]
    n = x.shape[0]
    # Directed incidence list. Dict insertion order in the original code means
    # each node's neighbor dict is ordered by ascending original edge id, and
    # reverse_line_graph emits nodes 0..N-1 in order -> lexsort by (node, eid).
    nodes2 = jnp.concatenate([u, v])
    partners = jnp.concatenate([v, u])
    eids = jnp.concatenate([jnp.arange(e), jnp.arange(e)])
    order = jnp.lexsort((eids, nodes2))
    # line_graph: new line-node features are the (deduped) edge_attr; identity module.
    x_line = edge_attr
    # reverse_line_graph edge attrs: for each directed (na, nb) in order,
    # x_line[node_neighbours[na][nb]]
    out_edge_attr = jnp.take(x_line, eids[order], axis=0)
    # reverse_line_graph node features. The original code has an in-place
    # aliasing bug: nx = dummy; nx += ... mutates the shared accumulator, so
    # node k receives the running PREFIX SUM over nodes 0..k of their
    # per-node edge sums, divided by len(old_node_new_edge[k]) = deg(k)^2.
    # Each of the deg(k)^2 line edges attributed to node k carries attr x[k],
    # so the per-node edge sum is exactly deg(k)^2 * x[k].
    deg = jnp.bincount(nodes2, minlength=n, length=n).astype(jnp.float32)
    deg2 = jnp.maximum(deg * deg, 1.0)  # guard; P(deg==0) ~ e^-32, negligible
    node_sum = deg2[:, None] * x
    out_x = jnp.cumsum(node_sum, axis=0) / deg2[:, None]
    # forward returns (x, edge_attr, state); state is None and omitted here.
    return (out_x, out_edge_attr)

if __name__ == "__main__":
    import jax
    _d = setup_inputs()
    print(jax.jit(kernel)(*tuple(_d.values())))

</pallas_src>

<mosaic_0001>
#map = affine_map<(d0, d1) -> (0)>
#map1 = affine_map<(d0, d1) -> (0, 0, 0)>
module attributes {stable_mosaic.version = 14 : i64} {
  func.func @_k1_hist(%arg0: i32, %arg1: i32, %arg2: memref<320016xi32, #tpu.memory_space<hbm>>, %arg3: memref<32x80x128xi32, #tpu.memory_space<hbm>>, %arg4: memref<10016xi32, #tpu.memory_space<vmem>>, %arg5: memref<80x128xi32, #tpu.memory_space<vmem>>, %arg6: memref<5008xi32, #tpu.memory_space<vmem>>, %arg7: memref<5008xi32, #tpu.memory_space<vmem>>) attributes {dimension_semantics = [#tpu.dimension_semantics<core_parallel>, #tpu.dimension_semantics<subcore_parallel>], iteration_bounds = array<i64: 2, 16>, scalar_prefetch = 0 : i64, scratch_operands = 4 : i64, tpu.core_type = #tpu.core_type<sc_vector_subcore>, window_params = [{transform_indices = #map}, {transform_indices = #map1}]} {
    %mul3A = arith.constant 2 : i32
    %mul3A_0 = arith.muli %arg1, %mul3A : i32
    %add3A = arith.addi %mul3A_0, %arg0 : i32
    %mul3A_1 = arith.constant 5000 : i32
    %mul3A_2 = arith.muli %add3A, %mul3A_1 : i32
    "tpu.region"() ({
      %run_scoped3A = tpu.sem_alloc : memref<!tpu.dma_semaphore, #tpu.memory_space<semaphore_mem>>
      %dma_start3A = tpu.memref_slice %arg2[%mul3A_2] : memref<320016xi32, #tpu.memory_space<hbm>> -> memref<5008xi32, #tpu.memory_space<hbm>>
      %dma_start3A_63 = tpu.memref_slice %arg2[%mul3A_2] : memref<320016xi32, #tpu.memory_space<hbm>> -> memref<5008xi32, #tpu.memory_space<hbm>>
      tpu.enqueue_dma source(%dma_start3A_63 : memref<5008xi32, #tpu.memory_space<hbm>>) target(%arg6 : memref<5008xi32, #tpu.memory_space<vmem>>) target_semaphore(%run_scoped3A : memref<!tpu.dma_semaphore, #tpu.memory_space<semaphore_mem>>)
      %dma_wait3A = tpu.memref_slice %arg2[%mul3A_2] : memref<320016xi32, #tpu.memory_space<hbm>> -> memref<5008xi32, #tpu.memory_space<hbm>>
      %dma_wait3A_64 = tpu.memref_slice %arg2[%mul3A_2] : memref<320016xi32, #tpu.memory_space<hbm>> -> memref<5008xi32, #tpu.memory_space<hbm>>
      tpu.wait_dma2 semaphore(%run_scoped3A : memref<!tpu.dma_semaphore, #tpu.memory_space<semaphore_mem>>) src(%dma_wait3A_64 : memref<5008xi32, #tpu.memory_space<hbm>>) dst(%arg6 : memref<5008xi32, #tpu.memory_space<vmem>>)
      tpu.yield
    }) : () -> ()
    %add3A_3 = arith.constant 160000 : i32
    %add3A_4 = arith.addi %add3A_3, %mul3A_2 : i32
    "tpu.region"() ({
      %run_scoped3A = tpu.sem_alloc : memref<!tpu.dma_semaphore, #tpu.memory_space<semaphore_mem>>
      %dma_start3A = tpu.memref_slice %arg2[%add3A_4] : memref<320016xi32, #tpu.memory_space<hbm>> -> memref<5008xi32, #tpu.memory_space<hbm>>
      %dma_start3A_63 = tpu.memref_slice %arg2[%add3A_4] : memref<320016xi32, #tpu.memory_space<hbm>> -> memref<5008xi32, #tpu.memory_space<hbm>>
      tpu.enqueue_dma source(%dma_start3A_63 : memref<5008xi32, #tpu.memory_space<hbm>>) target(%arg7 : memref<5008xi32, #tpu.memory_space<vmem>>) target_semaphore(%run_scoped3A : memref<!tpu.dma_semaphore, #tpu.memory_space<semaphore_mem>>)
      %dma_wait3A = tpu.memref_slice %arg2[%add3A_4] : memref<320016xi32, #tpu.memory_space<hbm>> -> memref<5008xi32, #tpu.memory_space<hbm>>
      %dma_wait3A_64 = tpu.memref_slice %arg2[%add3A_4] : memref<320016xi32, #tpu.memory_space<hbm>> -> memref<5008xi32, #tpu.memory_space<hbm>>
      tpu.wait_dma2 semaphore(%run_scoped3A : memref<!tpu.dma_semaphore, #tpu.memory_space<semaphore_mem>>) src(%dma_wait3A_64 : memref<5008xi32, #tpu.memory_space<hbm>>) dst(%arg7 : memref<5008xi32, #tpu.memory_space<vmem>>)
      tpu.yield
    }) : () -> ()
    %iota3A = tpu.iota {dimensions = array<i32: 0>} : vector<16xi32>
    %scan3A = arith.constant 0 : i32
    %scan3A_5 = arith.constant 0 : i32
    %scan3A_6 = arith.constant 312 : i32
    %scan3A_7 = arith.addi %scan3A_5, %scan3A_6 : i32
    %scan3A_8 = arith.constant 4 : i32
    %scan3A_9 = scf.for %scan3A_63 = %scan3A_5 to %scan3A_7 step %scan3A_8 iter_args(%scan3A_64 = %scan3A) -> (i32)  : i32 {
      %mul3A_65 = arith.constant 16 : i32
      %mul3A_66 = arith.muli %scan3A_63, %mul3A_65 : i32
      %mul3A_67 = arith.constant 16 : i32
      %mul3A_68 = arith.muli %scan3A_63, %mul3A_67 : i32
      %add3A_69 = vector.broadcast %mul3A_68 : i32 to vector<16xi32>
      %add3A_70 = arith.addi %add3A_69, %iota3A : vector<16xi32>
      %mul3A_71 = arith.constant 2 : i32
      %mul3A_72 = vector.broadcast %mul3A_71 : i32 to vector<16xi32>
      %mul3A_73 = arith.muli %add3A_70, %mul3A_72 : vector<16xi32>
      %get3A_74 = arith.index_cast %mul3A_66 : i32 to index
      %get3A_75 = tpu.vector_load %arg6[%get3A_74] {strides = array<i32>} : memref<5008xi32, #tpu.memory_space<vmem>>, vector<16xi32>,
      %scatter3A_76 = arith.constant 0 : i32
      %scatter3A_77 = tpu.memref_slice %arg4[%scatter3A_76] : memref<10016xi32, #tpu.memory_space<vmem>> -> memref<10016xi32, #tpu.memory_space<vmem>>
      tpu.vector_store_idx %scatter3A_77[%mul3A_73], %get3A_75 : memref<10016xi32, #tpu.memory_space<vmem>>[vector<16xi32>], vector<16xi32>,
      %add3A_78 = arith.constant 1 : i32
      %add3A_79 = vector.broadcast %add3A_78 : i32 to vector<16xi32>
      %add3A_80 = arith.addi %mul3A_73, %add3A_79 : vector<16xi32>
      %get3A_81 = arith.index_cast %mul3A_66 : i32 to index
      %get3A_82 = tpu.vector_load %arg7[%get3A_81] {strides = array<i32>} : memref<5008xi32, #tpu.memory_space<vmem>>, vector<16xi32>,
      %scatter3A_83 = arith.constant 0 : i32
      %scatter3A_84 = tpu.memref_slice %arg4[%scatter3A_83] : memref<10016xi32, #tpu.memory_space<vmem>> -> memref<10016xi32, #tpu.memory_space<vmem>>
      tpu.vector_store_idx %scatter3A_84[%add3A_80], %get3A_82 : memref<10016xi32, #tpu.memory_space<vmem>>[vector<16xi32>], vector<16xi32>,
      %scan3A_85 = arith.constant 0 : i32
      %scan3A_86 = arith.constant 1 : i32
      %scan3A_87 = arith.addi %scan3A_63, %scan3A_86 : i32
      %mul3A_88 = arith.constant 16 : i32
      %mul3A_89 = arith.muli %scan3A_87, %mul3A_88 : i32
      %mul3A_90 = arith.constant 16 : i32
      %mul3A_91 = arith.muli %scan3A_87, %mul3A_90 : i32
      %add3A_92 = vector.broadcast %mul3A_91 : i32 to vector<16xi32>
      %add3A_93 = arith.addi %add3A_92, %iota3A : vector<16xi32>
      %mul3A_94 = arith.constant 2 : i32
      %mul3A_95 = vector.broadcast %mul3A_94 : i32 to vector<16xi32>
      %mul3A_96 = arith.muli %add3A_93, %mul3A_95 : vector<16xi32>
      %get3A_97 = arith.index_cast %mul3A_89 : i32 to index
      %get3A_98 = tpu.vector_load %arg6[%get3A_97] {strides = array<i32>} : memref<5008xi32, #tpu.memory_space<vmem>>, vector<16xi32>,
      %scatter3A_99 = arith.constant 0 : i32
      %scatter3A_100 = tpu.memref_slice %arg4[%scatter3A_99] : memref<10016xi32, #tpu.memory_space<vmem>> -> memref<10016xi32, #tpu.memory_space<vmem>>
      tpu.vector_store_idx %scatter3A_100[%mul3A_96], %get3A_98 : memref<10016xi32, #tpu.memory_space<vmem>>[vector<16xi32>], vector<16xi32>,
      %add3A_101 = arith.constant 1 : i32
      %add3A_102 = vector.broadcast %add3A_101 : i32 to vector<16xi32>
      %add3A_103 = arith.addi %mul3A_96, %add3A_102 : vector<16xi32>
      %get3A_104 = arith.index_cast %mul3A_89 : i32 to index
      %get3A_105 = tpu.vector_load %arg7[%get3A_104] {strides = array<i32>} : memref<5008xi32, #tpu.memory_space<vmem>>, vector<16xi32>,
      %scatter3A_106 = arith.constant 0 : i32
      %scatter3A_107 = tpu.memref_slice %arg4[%scatter3A_106] : memref<10016xi32, #tpu.memory_space<vmem>> -> memref<10016xi32, #tpu.memory_space<vmem>>
      tpu.vector_store_idx %scatter3A_107[%add3A_103], %get3A_105 : memref<10016xi32, #tpu.memory_space<vmem>>[vector<16xi32>], vector<16xi32>,
      %scan3A_108 = arith.constant 0 : i32
      %scan3A_109 = arith.constant 2 : i32
      %scan3A_110 = arith.addi %scan3A_63, %scan3A_109 : i32
      %mul3A_111 = arith.constant 16 : i32
      %mul3A_112 = arith.muli %scan3A_110, %mul3A_111 : i32
      %mul3A_113 = arith.constant 16 : i32
      %mul3A_114 = arith.muli %scan3A_110, %mul3A_113 : i32
      %add3A_115 = vector.broadcast %mul3A_114 : i32 to vector<16xi32>
      %add3A_116 = arith.addi %add3A_115, %iota3A : vector<16xi32>
      %mul3A_117 = arith.constant 2 : i32
      %mul3A_118 = vector.broadcast %mul3A_117 : i32 to vector<16xi32>
      %mul3A_119 = arith.muli %add3A_116, %mul3A_118 : vector<16xi32>
      %get3A_120 = arith.index_cast %mul3A_112 : i32 to index
      %get3A_121 = tpu.vector_load %arg6[%get3A_120] {strides = array<i32>} : memref<5008xi32, #tpu.memory_space<vmem>>, vector<16xi32>,
      %scatter3A_122 = arith.constant 0 : i32
      %scatter3A_123 = tpu.memref_slice %arg4[%scatter3A_122] : memref<10016xi32, #tpu.memory_space<vmem>> -> memref<10016xi32, #tpu.memory_space<vmem>>
      tpu.vector_store_idx %scatter3A_123[%mul3A_119], %get3A_121 : memref<10016xi32, #tpu.memory_space<vmem>>[vector<16xi32>], vector<16xi32>,
      %add3A_124 = arith.constant 1 : i32
      %add3A_125 = vector.broadcast %add3A_124 : i32 to vector<16xi32>
      %add3A_126 = arith.addi %mul3A_119, %add3A_125 : vector<16xi32>
      %get3A_127 = arith.index_cast %mul3A_112 : i32 to index
      %get3A_128 = tpu.vector_load %arg7[%get3A_127] {strides = array<i32>} : memref<5008xi32, #tpu.memory_space<vmem>>, vector<16xi32>,
      %scatter3A_129 = arith.constant 0 : i32
      %scatter3A_130 = tpu.memref_slice %arg4[%scatter3A_129] : memref<10016xi32, #tpu.memory_space<vmem>> -> memref<10016xi32, #tpu.memory_space<vmem>>
      tpu.vector_store_idx %scatter3A_130[%add3A_126], %get3A_128 : memref<10016xi32, #tpu.memory_space<vmem>>[vector<16xi32>], vector<16xi32>,
      %scan3A_131 = arith.constant 0 : i32
      %scan3A_132 = arith.constant 3 : i32
      %scan3A_133 = arith.addi %scan3A_63, %scan3A_132 : i32
      %mul3A_134 = arith.constant 16 : i32
      %mul3A_135 = arith.muli %scan3A_133, %mul3A_134 : i32
      %mul3A_136 = arith.constant 16 : i32
      %mul3A_137 = arith.muli %scan3A_133, %mul3A_136 : i32
      %add3A_138 = vector.broadcast %mul3A_137 : i32 to vector<16xi32>
      %add3A_139 = arith.addi %add3A_138, %iota3A : vector<16xi32>
      %mul3A_140 = arith.constant 2 : i32
      %mul3A_141 = vector.broadcast %mul3A_140 : i32 to vector<16xi32>
      %mul3A_142 = arith.muli %add3A_139, %mul3A_141 : vector<16xi32>
      %get3A_143 = arith.index_cast %mul3A_135 : i32 to index
      %get3A_144 = tpu.vector_load %arg6[%get3A_143] {strides = array<i32>} : memref<5008xi32, #tpu.memory_space<vmem>>, vector<16xi32>,
      %scatter3A_145 = arith.constant 0 : i32
      %scatter3A_146 = tpu.memref_slice %arg4[%scatter3A_145] : memref<10016xi32, #tpu.memory_space<vmem>> -> memref<10016xi32, #tpu.memory_space<vmem>>
      tpu.vector_store_idx %scatter3A_146[%mul3A_142], %get3A_144 : memref<10016xi32, #tpu.memory_space<vmem>>[vector<16xi32>], vector<16xi32>,
      %add3A_147 = arith.constant 1 : i32
      %add3A_148 = vector.broadcast %add3A_147 : i32 to vector<16xi32>
      %add3A_149 = arith.addi %mul3A_142, %add3A_148 : vector<16xi32>
      %get3A_150 = arith.index_cast %mul3A_135 : i32 to index
      %get3A_151 = tpu.vector_load %arg7[%get3A_150] {strides = array<i32>} : memref<5008xi32, #tpu.memory_space<vmem>>, vector<16xi32>,
      %scatter3A_152 = arith.constant 0 : i32
      %scatter3A_153 = tpu.memref_slice %arg4[%scatter3A_152] : memref<10016xi32, #tpu.memory_space<vmem>> -> memref<10016xi32, #tpu.memory_space<vmem>>
      tpu.vector_store_idx %scatter3A_153[%add3A_149], %get3A_151 : memref<10016xi32, #tpu.memory_space<vmem>>[vector<16xi32>], vector<16xi32>,
      %scan3A_154 = arith.constant 0 : i32
      scf.yield %scan3A_154 : i32
    }
    %scan3A_10 = arith.constant 312 : i32
    %scan3A_11 = arith.addi %scan3A_5, %scan3A_10 : i32
    %mul3A_12 = arith.constant 16 : i32
    %mul3A_13 = arith.muli %scan3A_11, %mul3A_12 : i32
    %mul3A_14 = arith.constant 16 : i32
    %mul3A_15 = arith.muli %scan3A_11, %mul3A_14 : i32
    %add3A_16 = vector.broadcast %mul3A_15 : i32 to vector<16xi32>
    %add3A_17 = arith.addi %add3A_16, %iota3A : vector<16xi32>
    %mul3A_18 = arith.constant 2 : i32
    %mul3A_19 = vector.broadcast %mul3A_18 : i32 to vector<16xi32>
    %mul3A_20 = arith.muli %add3A_17, %mul3A_19 : vector<16xi32>
    %get3A = arith.index_cast %mul3A_13 : i32 to index
    %get3A_21 = tpu.vector_load %arg6[%get3A] {strides = array<i32>} : memref<5008xi32, #tpu.memory_space<vmem>>, vector<16xi32>,
    %scatter3A = arith.constant 0 : i32
    %scatter3A_22 = tpu.memref_slice %arg4[%scatter3A] : memref<10016xi32, #tpu.memory_space<vmem>> -> memref<10016xi32, #tpu.memory_space<vmem>>
    tpu.vector_store_idx %scatter3A_22[%mul3A_20], %get3A_21 : memref<10016xi32, #tpu.memory_space<vmem>>[vector<16xi32>], vector<16xi32>,
    %add3A_23 = arith.constant 1 : i32
    %add3A_24 = vector.broadcast %add3A_23 : i32 to vector<16xi32>
    %add3A_25 = arith.addi %mul3A_20, %add3A_24 : vector<16xi32>
    %get3A_26 = arith.index_cast %mul3A_13 : i32 to index
    %get3A_27 = tpu.vector_load %arg7[%get3A_26] {strides = array<i32>} : memref<5008xi32, #tpu.memory_space<vmem>>, vector<16xi32>,
    %scatter3A_28 = arith.constant 0 : i32
    %scatter3A_29 = tpu.memref_slice %arg4[%scatter3A_28] : memref<10016xi32, #tpu.memory_space<vmem>> -> memref<10016xi32, #tpu.memory_space<vmem>>
    tpu.vector_store_idx %scatter3A_29[%add3A_25], %get3A_27 : memref<10016xi32, #tpu.memory_space<vmem>>[vector<16xi32>], vector<16xi32>,
    %scan3A_30 = arith.constant 0 : i32
    %scan3A_31 = arith.constant 313 : i32
    %broadcast_in_dim3A = arith.constant 0 : i32
    %broadcast_in_dim3A_32 = vector.broadcast %broadcast_in_dim3A : i32 to vector<16xi32>
    %scan3A_33 = arith.constant 0 : i32
    %scan3A_34 = arith.constant 0 : i32
    %scan3A_35 = arith.constant 640 : i32
    %scan3A_36 = arith.addi %scan3A_34, %scan3A_35 : i32
    %scan3A_37 = arith.constant 4 : i32
    %scan3A_38 = scf.for %scan3A_63 = %scan3A_34 to %scan3A_36 step %scan3A_37 iter_args(%scan3A_64 = %scan3A_33) -> (i32)  : i32 {
      %shift_right_arithmetic3A_65 = arith.constant 3 : i32
      %shift_right_arithmetic3A_66 = arith.shrsi %scan3A_63, %shift_right_arithmetic3A_65 : i32
      %and3A_67 = arith.constant 7 : i32
      %and3A_68 = arith.andi %scan3A_63, %and3A_67 : i32
      %mul3A_69 = arith.constant 16 : i32
      %mul3A_70 = arith.muli %and3A_68, %mul3A_69 : i32
      %swap3A = arith.index_cast %shift_right_arithmetic3A_66 : i32 to index
      %swap3A_71 = arith.index_cast %mul3A_70 : i32 to index
      %swap3A_72 = tpu.vector_load %arg5[%swap3A, %swap3A_71] {strides = array<i32>} : memref<80x128xi32, #tpu.memory_space<vmem>>, vector<16xi32>,
      tpu.vector_store %arg5[%swap3A, %swap3A_71], %broadcast_in_dim3A_32 {strides = array<i32>} : memref<80x128xi32, #tpu.memory_space<vmem>>, vector<16xi32>,
      %scan3A_73 = arith.constant 0 : i32
      %scan3A_74 = arith.constant 1 : i32
      %scan3A_75 = arith.addi %scan3A_63, %scan3A_74 : i32
      %shift_right_arithmetic3A_76 = arith.constant 3 : i32
      %shift_right_arithmetic3A_77 = arith.shrsi %scan3A_75, %shift_right_arithmetic3A_76 : i32
      %and3A_78 = arith.constant 7 : i32
      %and3A_79 = arith.andi %scan3A_75, %and3A_78 : i32
      %mul3A_80 = arith.constant 16 : i32
      %mul3A_81 = arith.muli %and3A_79, %mul3A_80 : i32
      %swap3A_82 = arith.index_cast %shift_right_arithmetic3A_77 : i32 to index
      %swap3A_83 = arith.index_cast %mul3A_81 : i32 to index
      %swap3A_84 = tpu.vector_load %arg5[%swap3A_82, %swap3A_83] {strides = array<i32>} : memref<80x128xi32, #tpu.memory_space<vmem>>, vector<16xi32>,
      tpu.vector_store %arg5[%swap3A_82, %swap3A_83], %broadcast_in_dim3A_32 {strides = array<i32>} : memref<80x128xi32, #tpu.memory_space<vmem>>, vector<16xi32>,
      %scan3A_85 = arith.constant 0 : i32
      %scan3A_86 = arith.constant 2 : i32
      %scan3A_87 = arith.addi %scan3A_63, %scan3A_86 : i32
      %shift_right_arithmetic3A_88 = arith.constant 3 : i32
      %shift_right_arithmetic3A_89 = arith.shrsi %scan3A_87, %shift_right_arithmetic3A_88 : i32
      %and3A_90 = arith.constant 7 : i32
      %and3A_91 = arith.andi %scan3A_87, %and3A_90 : i32
      %mul3A_92 = arith.constant 16 : i32
      %mul3A_93 = arith.muli %and3A_91, %mul3A_92 : i32
      %swap3A_94 = arith.index_cast %shift_right_arithmetic3A_89 : i32 to index
      %swap3A_95 = arith.index_cast %mul3A_93 : i32 to index
      %swap3A_96 = tpu.vector_load %arg5[%swap3A_94, %swap3A_95] {strides = array<i32>} : memref<80x128xi32, #tpu.memory_space<vmem>>, vector<16xi32>,
      tpu.vector_store %arg5[%swap3A_94, %swap3A_95], %broadcast_in_dim3A_32 {strides = array<i32>} : memref<80x128xi32, #tpu.memory_space<vmem>>, vector<16xi32>,
      %scan3A_97 = arith.constant 0 : i32
      %scan3A_98 = arith.constant 3 : i32
      %scan3A_99 = arith.addi %scan3A_63, %scan3A_98 : i32
      %shift_right_arithmetic3A_100 = arith.constant 3 : i32
      %shift_right_arithmetic3A_101 = arith.shrsi %scan3A_99, %shift_right_arithmetic3A_100 : i32
      %and3A_102 = arith.constant 7 : i32
      %and3A_103 = arith.andi %scan3A_99, %and3A_102 : i32
      %mul3A_104 = arith.constant 16 : i32
      %mul3A_105 = arith.muli %and3A_103, %mul3A_104 : i32
      %swap3A_106 = arith.index_cast %shift_right_arithmetic3A_101 : i32 to index
      %swap3A_107 = arith.index_cast %mul3A_105 : i32 to index
      %swap3A_108 = tpu.vector_load %arg5[%swap3A_106, %swap3A_107] {strides = array<i32>} : memref<80x128xi32, #tpu.memory_space<vmem>>, vector<16xi32>,
      tpu.vector_store %arg5[%swap3A_106, %swap3A_107], %broadcast_in_dim3A_32 {strides = array<i32>} : memref<80x128xi32, #tpu.memory_space<vmem>>, vector<16xi32>,
      %scan3A_109 = arith.constant 0 : i32
      scf.yield %scan3A_109 : i32
    }
    %scan3A_39 = arith.constant 640 : i32
    %broadcast_in_dim3A_40 = arith.constant 1 : i32
    %broadcast_in_dim3A_41 = vector.broadcast %broadcast_in_dim3A_40 : i32 to vector<16xi32>
    %scan3A_42 = arith.constant 0 : i32
    %scan3A_43 = arith.constant 0 : i32
    %scan3A_44 = arith.constant 624 : i32
    %scan3A_45 = arith.addi %scan3A_43, %scan3A_44 : i32
    %scan3A_46 = arith.constant 4 : i32
    %scan3A_47 = scf.for %scan3A_63 = %scan3A_43 to %scan3A_45 step %scan3A_46 iter_args(%scan3A_64 = %scan3A_42) -> (i32)  : i32 {
      %mul3A_65 = arith.constant 16 : i32
      %mul3A_66 = arith.muli %scan3A_63, %mul3A_65 : i32
      %get3A_67 = arith.index_cast %mul3A_66 : i32 to index
      %get3A_68 = tpu.vector_load %arg4[%get3A_67] {strides = array<i32>} : memref<10016xi32, #tpu.memory_space<vmem>>, vector<16xi32>,
      %shift_right_arithmetic3A_69 = arith.constant 7 : i32
      %shift_right_arithmetic3A_70 = vector.broadcast %shift_right_arithmetic3A_69 : i32 to vector<16xi32>
      %shift_right_arithmetic3A_71 = arith.shrsi %get3A_68, %shift_right_arithmetic3A_70 : vector<16xi32>
      %and3A_72 = arith.constant 127 : i32
      %and3A_73 = vector.broadcast %and3A_72 : i32 to vector<16xi32>
      %and3A_74 = arith.andi %get3A_68, %and3A_73 : vector<16xi32>
      %scatter3A_75 = arith.constant 0 : i32
      %scatter3A_76 = arith.constant 0 : i32
      %scatter3A_77 = tpu.memref_slice %arg5[%scatter3A_75, %scatter3A_76] : memref<80x128xi32, #tpu.memory_space<vmem>> -> memref<80x128xi32, #tpu.memory_space<vmem>>
      tpu.vector_store_idx %scatter3A_77[%shift_right_arithmetic3A_71, %and3A_74], %broadcast_in_dim3A_41 {add = true} : memref<80x128xi32, #tpu.memory_space<vmem>>[vector<16xi32>, vector<16xi32>], vector<16xi32>,
      %scan3A_78 = arith.constant 0 : i32
      %scan3A_79 = arith.constant 1 : i32
      %scan3A_80 = arith.addi %scan3A_63, %scan3A_79 : i32
      %mul3A_81 = arith.constant 16 : i32
      %mul3A_82 = arith.muli %scan3A_80, %mul3A_81 : i32
      %get3A_83 = arith.index_cast %mul3A_82 : i32 to index
      %get3A_84 = tpu.vector_load %arg4[%get3A_83] {strides = array<i32>} : memref<10016xi32, #tpu.memory_space<vmem>>, vector<16xi32>,
      %shift_right_arithmetic3A_85 = arith.constant 7 : i32
      %shift_right_arithmetic3A_86 = vector.broadcast %shift_right_arithmetic3A_85 : i32 to vector<16xi32>
      %shift_right_arithmetic3A_87 = arith.shrsi %get3A_84, %shift_right_arithmetic3A_86 : vector<16xi32>
      %and3A_88 = arith.constant 127 : i32
      %and3A_89 = vector.broadcast %and3A_88 : i32 to vector<16xi32>
      %and3A_90 = arith.andi %get3A_84, %and3A_89 : vector<16xi32>
      %scatter3A_91 = arith.constant 0 : i32
      %scatter3A_92 = arith.constant 0 : i32
      %scatter3A_93 = tpu.memref_slice %arg5[%scatter3A_91, %scatter3A_92] : memref<80x128xi32, #tpu.memory_space<vmem>> -> memref<80x128xi32, #tpu.memory_space<vmem>>
      tpu.vector_store_idx %scatter3A_93[%shift_right_arithmetic3A_87, %and3A_90], %broadcast_in_dim3A_41 {add = true} : memref<80x128xi32, #tpu.memory_space<vmem>>[vector<16xi32>, vector<16xi32>], vector<16xi32>,
      %scan3A_94 = arith.constant 0 : i32
      %scan3A_95 = arith.constant 2 : i32
      %scan3A_96 = arith.addi %scan3A_63, %scan3A_95 : i32
      %mul3A_97 = arith.constant 16 : i32
      %mul3A_98 = arith.muli %scan3A_96, %mul3A_97 : i32
      %get3A_99 = arith.index_cast %mul3A_98 : i32 to index
      %get3A_100 = tpu.vector_load %arg4[%get3A_99] {strides = array<i32>} : memref<10016xi32, #tpu.memory_space<vmem>>, vector<16xi32>,
      %shift_right_arithmetic3A_101 = arith.constant 7 : i32
      %shift_right_arithmetic3A_102 = vector.broadcast %shift_right_arithmetic3A_101 : i32 to vector<16xi32>
      %shift_right_arithmetic3A_103 = arith.shrsi %get3A_100, %shift_right_arithmetic3A_102 : vector<16xi32>
      %and3A_104 = arith.constant 127 : i32
      %and3A_105 = vector.broadcast %and3A_104 : i32 to vector<16xi32>
      %and3A_106 = arith.andi %get3A_100, %and3A_105 : vector<16xi32>
      %scatter3A_107 = arith.constant 0 : i32
      %scatter3A_108 = arith.constant 0 : i32
      %scatter3A_109 = tpu.memref_slice %arg5[%scatter3A_107, %scatter3A_108] : memref<80x128xi32, #tpu.memory_space<vmem>> -> memref<80x128xi32, #tpu.memory_space<vmem>>
      tpu.vector_store_idx %scatter3A_109[%shift_right_arithmetic3A_103, %and3A_106], %broadcast_in_dim3A_41 {add = true} : memref<80x128xi32, #tpu.memory_space<vmem>>[vector<16xi32>, vector<16xi32>], vector<16xi32>,
      %scan3A_110 = arith.constant 0 : i32
      %scan3A_111 = arith.constant 3 : i32
      %scan3A_112 = arith.addi %scan3A_63, %scan3A_111 : i32
      %mul3A_113 = arith.constant 16 : i32
      %mul3A_114 = arith.muli %scan3A_112, %mul3A_113 : i32
      %get3A_115 = arith.index_cast %mul3A_114 : i32 to index
      %get3A_116 = tpu.vector_load %arg4[%get3A_115] {strides = array<i32>} : memref<10016xi32, #tpu.memory_space<vmem>>, vector<16xi32>,
      %shift_right_arithmetic3A_117 = arith.constant 7 : i32
      %shift_right_arithmetic3A_118 = vector.broadcast %shift_right_arithmetic3A_117 : i32 to vector<16xi32>
      %shift_right_arithmetic3A_119 = arith.shrsi %get3A_116, %shift_right_arithmetic3A_118 : vector<16xi32>
      %and3A_120 = arith.constant 127 : i32
      %and3A_121 = vector.broadcast %and3A_120 : i32 to vector<16xi32>
      %and3A_122 = arith.andi %get3A_116, %and3A_121 : vector<16xi32>
      %scatter3A_123 = arith.constant 0 : i32
      %scatter3A_124 = arith.constant 0 : i32
      %scatter3A_125 = tpu.memref_slice %arg5[%scatter3A_123, %scatter3A_124] : memref<80x128xi32, #tpu.memory_space<vmem>> -> memref<80x128xi32, #tpu.memory_space<vmem>>
      tpu.vector_store_idx %scatter3A_125[%shift_right_arithmetic3A_119, %and3A_122], %broadcast_in_dim3A_41 {add = true} : memref<80x128xi32, #tpu.memory_space<vmem>>[vector<16xi32>, vector<16xi32>], vector<16xi32>,
      %scan3A_126 = arith.constant 0 : i32
      scf.yield %scan3A_126 : i32
    }
    %scan3A_48 = arith.constant 624 : i32
    %scan3A_49 = arith.addi %scan3A_43, %scan3A_48 : i32
    %mul3A_50 = arith.constant 16 : i32
    %mul3A_51 = arith.muli %scan3A_49, %mul3A_50 : i32
    %get3A_52 = arith.index_cast %mul3A_51 : i32 to index
    %get3A_53 = tpu.vector_load %arg4[%get3A_52] {strides = array<i32>} : memref<10016xi32, #tpu.memory_space<vmem>>, vector<16xi32>,
    %shift_right_arithmetic3A = arith.constant 7 : i32
    %shift_right_arithmetic3A_54 = vector.broadcast %shift_right_arithmetic3A : i32 to vector<16xi32>
    %shift_right_arithmetic3A_55 = arith.shrsi %get3A_53, %shift_right_arithmetic3A_54 : vector<16xi32>
    %and3A = arith.constant 127 : i32
    %and3A_56 = vector.broadcast %and3A : i32 to vector<16xi32>
    %and3A_57 = arith.andi %get3A_53, %and3A_56 : vector<16xi32>
    %scatter3A_58 = arith.constant 0 : i32
    %scatter3A_59 = arith.constant 0 : i32
    %scatter3A_60 = tpu.memref_slice %arg5[%scatter3A_58, %scatter3A_59] : memref<80x128xi32, #tpu.memory_space<vmem>> -> memref<80x128xi32, #tpu.memory_space<vmem>>
    tpu.vector_store_idx %scatter3A_60[%shift_right_arithmetic3A_55, %and3A_57], %broadcast_in_dim3A_41 {add = true} : memref<80x128xi32, #tpu.memory_space<vmem>>[vector<16xi32>, vector<16xi32>], vector<16xi32>,
    %scan3A_61 = arith.constant 0 : i32
    %scan3A_62 = arith.constant 625 : i32
    "tpu.region"() ({
      %run_scoped3A = tpu.sem_alloc : memref<!tpu.dma_semaphore, #tpu.memory_space<semaphore_mem>>
      %dma_start3A = arith.constant 0 : i32
      %dma_start3A_63 = arith.constant 0 : i32
      %dma_start3A_64 = tpu.memref_slice %arg3[%add3A, %dma_start3A, %dma_start3A_63] : memref<32x80x128xi32, #tpu.memory_space<hbm>> -> memref<1x80x128xi32, #tpu.memory_space<hbm>>
      %dma_start3A_65 = tpu.memref_squeeze %dma_start3A_64 : memref<1x80x128xi32, #tpu.memory_space<hbm>> -> memref<80x128xi32, #tpu.memory_space<hbm>>
      %dma_start3A_66 = arith.constant 0 : i32
      %dma_start3A_67 = arith.constant 0 : i32
      %dma_start3A_68 = tpu.memref_slice %arg3[%add3A, %dma_start3A_66, %dma_start3A_67] : memref<32x80x128xi32, #tpu.memory_space<hbm>> -> memref<1x80x128xi32, #tpu.memory_space<hbm>>
      %dma_start3A_69 = tpu.memref_squeeze %dma_start3A_68 : memref<1x80x128xi32, #tpu.memory_space<hbm>> -> memref<80x128xi32, #tpu.memory_space<hbm>>
      tpu.enqueue_dma source(%arg5 : memref<80x128xi32, #tpu.memory_space<vmem>>) target(%dma_start3A_69 : memref<80x128xi32, #tpu.memory_space<hbm>>) target_semaphore(%run_scoped3A : memref<!tpu.dma_semaphore, #tpu.memory_space<semaphore_mem>>)
      %dma_wait3A = arith.constant 0 : i32
      %dma_wait3A_70 = arith.constant 0 : i32
      %dma_wait3A_71 = tpu.memref_slice %arg3[%add3A, %dma_wait3A, %dma_wait3A_70] : memref<32x80x128xi32, #tpu.memory_space<hbm>> -> memref<1x80x128xi32, #tpu.memory_space<hbm>>
      %dma_wait3A_72 = tpu.memref_squeeze %dma_wait3A_71 : memref<1x80x128xi32, #tpu.memory_space<hbm>> -> memref<80x128xi32, #tpu.memory_space<hbm>>
      %dma_wait3A_73 = arith.constant 0 : i32
      %dma_wait3A_74 = arith.constant 0 : i32
      %dma_wait3A_75 = tpu.memref_slice %arg3[%add3A, %dma_wait3A_73, %dma_wait3A_74] : memref<32x80x128xi32, #tpu.memory_space<hbm>> -> memref<1x80x128xi32, #tpu.memory_space<hbm>>
      %dma_wait3A_76 = tpu.memref_squeeze %dma_wait3A_75 : memref<1x80x128xi32, #tpu.memory_space<hbm>> -> memref<80x128xi32, #tpu.memory_space<hbm>>
      tpu.wait_dma2 semaphore(%run_scoped3A : memref<!tpu.dma_semaphore, #tpu.memory_space<semaphore_mem>>) src(%arg5 : memref<80x128xi32, #tpu.memory_space<vmem>>) dst(%dma_wait3A_76 : memref<80x128xi32, #tpu.memory_space<hbm>>)
      tpu.yield
    }) : () -> ()
    return
  }
}

#map = affine_map<(d0, d1) -> (0)>
#map1 = affine_map<(d0, d1) -> (0, 0, 0)>
module attributes {stable_mosaic.version = 14 : i64} {
  func.func @_k3_rank(%arg0: i32, %arg1: i32, %arg2: memref<320016xi32, #tpu.memory_space<hbm>>, %arg3: memref<32x80x128xi32, #tpu.memory_space<hbm>>, %arg4: memref<640000xi32, #tpu.memory_space<hbm>>, %arg5: memref<10016xi32, #tpu.memory_space<vmem>>, %arg6: memref<80x128xi32, #tpu.memory_space<vmem>>, %arg7: memref<10000xi32, #tpu.memory_space<vmem>>, %arg8: memref<10000xi32, #tpu.memory_space<vmem>>, %arg9: memref<20000xi32, #tpu.memory_space<vmem>>, %arg10: memref<5008xi32, #tpu.memory_space<vmem>>, %arg11: memref<5008xi32, #tpu.memory_space<vmem>>, %arg12: memref<320000xi32, #tpu.memory_space<vmem_shared>>, %arg13: memref<!tpu.dma_semaphore, #tpu.memory_space<semaphore_mem>>) attributes {dimension_semantics = [#tpu.dimension_semantics<core_parallel>, #tpu.dimension_semantics<subcore_parallel>], iteration_bounds = array<i64: 2, 16>, scalar_prefetch = 0 : i64, scratch_operands = 9 : i64, tpu.core_type = #tpu.core_type<sc_vector_subcore>, window_params = [{transform_indices = #map}, {transform_indices = #map1}, {transform_indices = #map}]} {
    %mul3A = arith.constant 2 : i32
    %mul3A_0 = arith.muli %arg1, %mul3A : i32
    %add3A = arith.addi %mul3A_0, %arg0 : i32
    %broadcast_in_dim3A = arith.constant 0 : i32
    %broadcast_in_dim3A_1 = vector.broadcast %broadcast_in_dim3A : i32 to vector<16xi32>
    %scan3A = arith.constant 0 : i32
    %scan3A_2 = arith.constant 0 : i32
    %scan3A_3 = arith.constant 1248 : i32
    %scan3A_4 = arith.addi %scan3A_2, %scan3A_3 : i32
    %scan3A_5 = arith.constant 4 : i32
    %scan3A_6 = scf.for %scan3A_109 = %scan3A_2 to %scan3A_4 step %scan3A_5 iter_args(%scan3A_110 = %scan3A) -> (i32)  : i32 {
      %mul3A_111 = arith.constant 16 : i32
      %mul3A_112 = arith.muli %scan3A_109, %mul3A_111 : i32
      %swap3A_113 = arith.index_cast %mul3A_112 : i32 to index
      %swap3A_114 = tpu.vector_load %arg9[%swap3A_113] {strides = array<i32>} : memref<20000xi32, #tpu.memory_space<vmem>>, vector<16xi32>,
      tpu.vector_store %arg9[%swap3A_113], %broadcast_in_dim3A_1 {strides = array<i32>} : memref<20000xi32, #tpu.memory_space<vmem>>, vector<16xi32>,
      %scan3A_115 = arith.constant 0 : i32
      %scan3A_116 = arith.constant 1 : i32
      %scan3A_117 = arith.addi %scan3A_109, %scan3A_116 : i32
      %mul3A_118 = arith.constant 16 : i32
      %mul3A_119 = arith.muli %scan3A_117, %mul3A_118 : i32
      %swap3A_120 = arith.index_cast %mul3A_119 : i32 to index
      %swap3A_121 = tpu.vector_load %arg9[%swap3A_120] {strides = array<i32>} : memref<20000xi32, #tpu.memory_space<vmem>>, vector<16xi32>,
      tpu.vector_store %arg9[%swap3A_120], %broadcast_in_dim3A_1 {strides = array<i32>} : memref<20000xi32, #tpu.memory_space<vmem>>, vector<16xi32>,
      %scan3A_122 = arith.constant 0 : i32
      %scan3A_123 = arith.constant 2 : i32
      %scan3A_124 = arith.addi %scan3A_109, %scan3A_123 : i32
      %mul3A_125 = arith.constant 16 : i32
      %mul3A_126 = arith.muli %scan3A_124, %mul3A_125 : i32
      %swap3A_127 = arith.index_cast %mul3A_126 : i32 to index
      %swap3A_128 = tpu.vector_load %arg9[%swap3A_127] {strides = array<i32>} : memref<20000xi32, #tpu.memory_space<vmem>>, vector<16xi32>,
      tpu.vector_store %arg9[%swap3A_127], %broadcast_in_dim3A_1 {strides = array<i32>} : memref<20000xi32, #tpu.memory_space<vmem>>, vector<16xi32>,
      %scan3A_129 = arith.constant 0 : i32
      %scan3A_130 = arith.constant 3 : i32
      %scan3A_131 = arith.addi %scan3A_109, %scan3A_130 : i32
      %mul3A_132 = arith.constant 16 : i32
      %mul3A_133 = arith.muli %scan3A_131, %mul3A_132 : i32
      %swap3A_134 = arith.index_cast %mul3A_133 : i32 to index
      %swap3A_135 = tpu.vector_load %arg9[%swap3A_134] {strides = array<i32>} : memref<20000xi32, #tpu.memory_space<vmem>>, vector<16xi32>,
      tpu.vector_store %arg9[%swap3A_134], %broadcast_in_dim3A_1 {strides = array<i32>} : memref<20000xi32, #tpu.memory_space<vmem>>, vector<16xi32>,
      %scan3A_136 = arith.constant 0 : i32
      scf.yield %scan3A_136 : i32
    }
    %scan3A_7 = arith.constant 1248 : i32
    %scan3A_8 = arith.addi %scan3A_2, %scan3A_7 : i32
    %mul3A_9 = arith.constant 16 : i32
    %mul3A_10 = arith.muli %scan3A_8, %mul3A_9 : i32
    %swap3A = arith.index_cast %mul3A_10 : i32 to index
    %swap3A_11 = tpu.vector_load %arg9[%swap3A] {strides = array<i32>} : memref<20000xi32, #tpu.memory_space<vmem>>, vector<16xi32>,
    tpu.vector_store %arg9[%swap3A], %broadcast_in_dim3A_1 {strides = array<i32>} : memref<20000xi32, #tpu.memory_space<vmem>>, vector<16xi32>,
    %scan3A_12 = arith.constant 0 : i32
    %scan3A_13 = arith.constant 1249 : i32
    %scan3A_14 = arith.addi %scan3A_2, %scan3A_13 : i32
    %mul3A_15 = arith.constant 16 : i32
    %mul3A_16 = arith.muli %scan3A_14, %mul3A_15 : i32
    %swap3A_17 = arith.index_cast %mul3A_16 : i32 to index
    %swap3A_18 = tpu.vector_load %arg9[%swap3A_17] {strides = array<i32>} : memref<20000xi32, #tpu.memory_space<vmem>>, vector<16xi32>,
    tpu.vector_store %arg9[%swap3A_17], %broadcast_in_dim3A_1 {strides = array<i32>} : memref<20000xi32, #tpu.memory_space<vmem>>, vector<16xi32>,
    %scan3A_19 = arith.constant 0 : i32
    %scan3A_20 = arith.constant 1250 : i32
    %mul3A_21 = arith.constant 20000 : i32
    %mul3A_22 = arith.muli %arg1, %mul3A_21 : i32
    "tpu.region"() ({
      %run_scoped3A = tpu.sem_alloc : memref<!tpu.dma_semaphore, #tpu.memory_space<semaphore_mem>>
      %dma_start3A = tpu.memref_slice %arg12[%mul3A_22] : memref<320000xi32, #tpu.memory_space<vmem_shared>> -> memref<20000xi32, #tpu.memory_space<vmem_shared>>
      %dma_start3A_109 = tpu.memref_slice %arg12[%mul3A_22] : memref<320000xi32, #tpu.memory_space<vmem_shared>> -> memref<20000xi32, #tpu.memory_space<vmem_shared>>
      tpu.enqueue_dma source(%arg9 : memref<20000xi32, #tpu.memory_space<vmem>>) target(%dma_start3A_109 : memref<20000xi32, #tpu.memory_space<vmem_shared>>) target_semaphore(%run_scoped3A : memref<!tpu.dma_semaphore, #tpu.memory_space<semaphore_mem>>)
      %dma_wait3A = tpu.memref_slice %arg12[%mul3A_22] : memref<320000xi32, #tpu.memory_space<vmem_shared>> -> memref<20000xi32, #tpu.memory_space<vmem_shared>>
      %dma_wait3A_110 = tpu.memref_slice %arg12[%mul3A_22] : memref<320000xi32, #tpu.memory_space<vmem_shared>> -> memref<20000xi32, #tpu.memory_space<vmem_shared>>
      tpu.wait_dma2 semaphore(%run_scoped3A : memref<!tpu.dma_semaphore, #tpu.memory_space<semaphore_mem>>) src(%arg9 : memref<20000xi32, #tpu.memory_space<vmem>>) dst(%dma_wait3A_110 : memref<20000xi32, #tpu.memory_space<vmem_shared>>)
      tpu.yield
    }) : () -> ()
    %mul3A_23 = arith.constant 5000 : i32
    %mul3A_24 = arith.muli %add3A, %mul3A_23 : i32
    "tpu.region"() ({
      %run_scoped3A = tpu.sem_alloc : memref<!tpu.dma_semaphore, #tpu.memory_space<semaphore_mem>>
      %dma_start3A = tpu.memref_slice %arg2[%mul3A_24] : memref<320016xi32, #tpu.memory_space<hbm>> -> memref<5008xi32, #tpu.memory_space<hbm>>
      %dma_start3A_109 = tpu.memref_slice %arg2[%mul3A_24] : memref<320016xi32, #tpu.memory_space<hbm>> -> memref<5008xi32, #tpu.memory_space<hbm>>
      tpu.enqueue_dma source(%dma_start3A_109 : memref<5008xi32, #tpu.memory_space<hbm>>) target(%arg10 : memref<5008xi32, #tpu.memory_space<vmem>>) target_semaphore(%run_scoped3A : memref<!tpu.dma_semaphore, #tpu.memory_space<semaphore_mem>>)
      %dma_wait3A = tpu.memref_slice %arg2[%mul3A_24] : memref<320016xi32, #tpu.memory_space<hbm>> -> memref<5008xi32, #tpu.memory_space<hbm>>
      %dma_wait3A_110 = tpu.memref_slice %arg2[%mul3A_24] : memref<320016xi32, #tpu.memory_space<hbm>> -> memref<5008xi32, #tpu.memory_space<hbm>>
      tpu.wait_dma2 semaphore(%run_scoped3A : memref<!tpu.dma_semaphore, #tpu.memory_space<semaphore_mem>>) src(%dma_wait3A_110 : memref<5008xi32, #tpu.memory_space<hbm>>) dst(%arg10 : memref<5008xi32, #tpu.memory_space<vmem>>)
      tpu.yield
    }) : () -> ()
    %add3A_25 = arith.constant 160000 : i32
    %add3A_26 = arith.addi %add3A_25, %mul3A_24 : i32
    "tpu.region"() ({
      %run_scoped3A = tpu.sem_alloc : memref<!tpu.dma_semaphore, #tpu.memory_space<semaphore_mem>>
      %dma_start3A = tpu.memref_slice %arg2[%add3A_26] : memref<320016xi32, #tpu.memory_space<hbm>> -> memref<5008xi32, #tpu.memory_space<hbm>>
      %dma_start3A_109 = tpu.memref_slice %arg2[%add3A_26] : memref<320016xi32, #tpu.memory_space<hbm>> -> memref<5008xi32, #tpu.memory_space<hbm>>
      tpu.enqueue_dma source(%dma_start3A_109 : memref<5008xi32, #tpu.memory_space<hbm>>) target(%arg11 : memref<5008xi32, #tpu.memory_space<vmem>>) target_semaphore(%run_scoped3A : memref<!tpu.dma_semaphore, #tpu.memory_space<semaphore_mem>>)
      %dma_wait3A = tpu.memref_slice %arg2[%add3A_26] : memref<320016xi32, #tpu.memory_space<hbm>> -> memref<5008xi32, #tpu.memory_space<hbm>>
      %dma_wait3A_110 = tpu.memref_slice %arg2[%add3A_26] : memref<320016xi32, #tpu.memory_space<hbm>> -> memref<5008xi32, #tpu.memory_space<hbm>>
      tpu.wait_dma2 semaphore(%run_scoped3A : memref<!tpu.dma_semaphore, #tpu.memory_space<semaphore_mem>>) src(%dma_wait3A_110 : memref<5008xi32, #tpu.memory_space<hbm>>) dst(%arg11 : memref<5008xi32, #tpu.memory_space<vmem>>)
      tpu.yield
    }) : () -> ()
    %iota3A = tpu.iota {dimensions = array<i32: 0>} : vector<16xi32>
    %scan3A_27 = arith.constant 0 : i32
    %scan3A_28 = arith.constant 0 : i32
    %scan3A_29 = arith.constant 312 : i32
    %scan3A_30 = arith.addi %scan3A_28, %scan3A_29 : i32
    %scan3A_31 = arith.constant 4 : i32
    %scan3A_32 = scf.for %scan3A_109 = %scan3A_28 to %scan3A_30 step %scan3A_31 iter_args(%scan3A_110 = %scan3A_27) -> (i32)  : i32 {
      %mul3A_111 = arith.constant 16 : i32
      %mul3A_112 = arith.muli %scan3A_109, %mul3A_111 : i32
      %mul3A_113 = arith.constant 16 : i32
      %mul3A_114 = arith.muli %scan3A_109, %mul3A_113 : i32
      %add3A_115 = vector.broadcast %mul3A_114 : i32 to vector<16xi32>
      %add3A_116 = arith.addi %add3A_115, %iota3A : vector<16xi32>
      %mul3A_117 = arith.constant 2 : i32
      %mul3A_118 = vector.broadcast %mul3A_117 : i32 to vector<16xi32>
      %mul3A_119 = arith.muli %add3A_116, %mul3A_118 : vector<16xi32>
      %get3A_120 = arith.index_cast %mul3A_112 : i32 to index
      %get3A_121 = tpu.vector_load %arg10[%get3A_120] {strides = array<i32>} : memref<5008xi32, #tpu.memory_space<vmem>>, vector<16xi32>,
      %scatter3A_122 = arith.constant 0 : i32
      %scatter3A_123 = tpu.memref_slice %arg5[%scatter3A_122] : memref<10016xi32, #tpu.memory_space<vmem>> -> memref<10016xi32, #tpu.memory_space<vmem>>
      tpu.vector_store_idx %scatter3A_123[%mul3A_119], %get3A_121 : memref<10016xi32, #tpu.memory_space<vmem>>[vector<16xi32>], vector<16xi32>,
      %add3A_124 = arith.constant 1 : i32
      %add3A_125 = vector.broadcast %add3A_124 : i32 to vector<16xi32>
      %add3A_126 = arith.addi %mul3A_119, %add3A_125 : vector<16xi32>
      %get3A_127 = arith.index_cast %mul3A_112 : i32 to index
      %get3A_128 = tpu.vector_load %arg11[%get3A_127] {strides = array<i32>} : memref<5008xi32, #tpu.memory_space<vmem>>, vector<16xi32>,
      %scatter3A_129 = arith.constant 0 : i32
      %scatter3A_130 = tpu.memref_slice %arg5[%scatter3A_129] : memref<10016xi32, #tpu.memory_space<vmem>> -> memref<10016xi32, #tpu.memory_space<vmem>>
      tpu.vector_store_idx %scatter3A_130[%add3A_126], %get3A_128 : memref<10016xi32, #tpu.memory_space<vmem>>[vector<16xi32>], vector<16xi32>,
      %scan3A_131 = arith.constant 0 : i32
      %scan3A_132 = arith.constant 1 : i32
      %scan3A_133 = arith.addi %scan3A_109, %scan3A_132 : i32
      %mul3A_134 = arith.constant 16 : i32
      %mul3A_135 = arith.muli %scan3A_133, %mul3A_134 : i32
      %mul3A_136 = arith.constant 16 : i32
      %mul3A_137 = arith.muli %scan3A_133, %mul3A_136 : i32
      %add3A_138 = vector.broadcast %mul3A_137 : i32 to vector<16xi32>
      %add3A_139 = arith.addi %add3A_138, %iota3A : vector<16xi32>
      %mul3A_140 = arith.constant 2 : i32
      %mul3A_141 = vector.broadcast %mul3A_140 : i32 to vector<16xi32>
      %mul3A_142 = arith.muli %add3A_139, %mul3A_141 : vector<16xi32>
      %get3A_143 = arith.index_cast %mul3A_135 : i32 to index
      %get3A_144 = tpu.vector_load %arg10[%get3A_143] {strides = array<i32>} : memref<5008xi32, #tpu.memory_space<vmem>>, vector<16xi32>,
      %scatter3A_145 = arith.constant 0 : i32
      %scatter3A_146 = tpu.memref_slice %arg5[%scatter3A_145] : memref<10016xi32, #tpu.memory_space<vmem>> -> memref<10016xi32, #tpu.memory_space<vmem>>
      tpu.vector_store_idx %scatter3A_146[%mul3A_142], %get3A_144 : memref<10016xi32, #tpu.memory_space<vmem>>[vector<16xi32>], vector<16xi32>,
      %add3A_147 = arith.constant 1 : i32
      %add3A_148 = vector.broadcast %add3A_147 : i32 to vector<16xi32>
      %add3A_149 = arith.addi %mul3A_142, %add3A_148 : vector<16xi32>
      %get3A_150 = arith.index_cast %mul3A_135 : i32 to index
      %get3A_151 = tpu.vector_load %arg11[%get3A_150] {strides = array<i32>} : memref<5008xi32, #tpu.memory_space<vmem>>, vector<16xi32>,
      %scatter3A_152 = arith.constant 0 : i32
      %scatter3A_153 = tpu.memref_slice %arg5[%scatter3A_152] : memref<10016xi32, #tpu.memory_space<vmem>> -> memref<10016xi32, #tpu.memory_space<vmem>>
      tpu.vector_store_idx %scatter3A_153[%add3A_149], %get3A_151 : memref<10016xi32, #tpu.memory_space<vmem>>[vector<16xi32>], vector<16xi32>,
      %scan3A_154 = arith.constant 0 : i32
      %scan3A_155 = arith.constant 2 : i32
      %scan3A_156 = arith.addi %scan3A_109, %scan3A_155 : i32
      %mul3A_157 = arith.constant 16 : i32
      %mul3A_158 = arith.muli %scan3A_156, %mul3A_157 : i32
      %mul3A_159 = arith.constant 16 : i32
      %mul3A_160 = arith.muli %scan3A_156, %mul3A_159 : i32
      %add3A_161 = vector.broadcast %mul3A_160 : i32 to vector<16xi32>
      %add3A_162 = arith.addi %add3A_161, %iota3A : vector<16xi32>
      %mul3A_163 = arith.constant 2 : i32
      %mul3A_164 = vector.broadcast %mul3A_163 : i32 to vector<16xi32>
      %mul3A_165 = arith.muli %add3A_162, %mul3A_164 : vector<16xi32>
      %get3A_166 = arith.index_cast %mul3A_158 : i32 to index
      %get3A_167 = tpu.vector_load %arg10[%get3A_166] {strides = array<i32>} : memref<5008xi32, #tpu.memory_space<vmem>>, vector<16xi32>,
      %scatter3A_168 = arith.constant 0 : i32
      %scatter3A_169 = tpu.memref_slice %arg5[%scatter3A_168] : memref<10016xi32, #tpu.memory_space<vmem>> -> memref<10016xi32, #tpu.memory_space<vmem>>
      tpu.vector_store_idx %scatter3A_169[%mul3A_165], %get3A_167 : memref<10016xi32, #tpu.memory_space<vmem>>[vector<16xi32>], vector<16xi32>,
      %add3A_170 = arith.constant 1 : i32
      %add3A_171 = vector.broadcast %add3A_170 : i32 to vector<16xi32>
      %add3A_172 = arith.addi %mul3A_165, %add3A_171 : vector<16xi32>
      %get3A_173 = arith.index_cast %mul3A_158 : i32 to index
      %get3A_174 = tpu.vector_load %arg11[%get3A_173] {strides = array<i32>} : memref<5008xi32, #tpu.memory_space<vmem>>, vector<16xi32>,
      %scatter3A_175 = arith.constant 0 : i32
      %scatter3A_176 = tpu.memref_slice %arg5[%scatter3A_175] : memref<10016xi32, #tpu.memory_space<vmem>> -> memref<10016xi32, #tpu.memory_space<vmem>>
      tpu.vector_store_idx %scatter3A_176[%add3A_172], %get3A_174 : memref<10016xi32, #tpu.memory_space<vmem>>[vector<16xi32>], vector<16xi32>,
      %scan3A_177 = arith.constant 0 : i32
      %scan3A_178 = arith.constant 3 : i32
      %scan3A_179 = arith.addi %scan3A_109, %scan3A_178 : i32
      %mul3A_180 = arith.constant 16 : i32
      %mul3A_181 = arith.muli %scan3A_179, %mul3A_180 : i32
      %mul3A_182 = arith.constant 16 : i32
      %mul3A_183 = arith.muli %scan3A_179, %mul3A_182 : i32
      %add3A_184 = vector.broadcast %mul3A_183 : i32 to vector<16xi32>
      %add3A_185 = arith.addi %add3A_184, %iota3A : vector<16xi32>
      %mul3A_186 = arith.constant 2 : i32
      %mul3A_187 = vector.broadcast %mul3A_186 : i32 to vector<16xi32>
      %mul3A_188 = arith.muli %add3A_185, %mul3A_187 : vector<16xi32>
      %get3A_189 = arith.index_cast %mul3A_181 : i32 to index
      %get3A_190 = tpu.vector_load %arg10[%get3A_189] {strides = array<i32>} : memref<5008xi32, #tpu.memory_space<vmem>>, vector<16xi32>,
      %scatter3A_191 = arith.constant 0 : i32
      %scatter3A_192 = tpu.memref_slice %arg5[%scatter3A_191] : memref<10016xi32, #tpu.memory_space<vmem>> -> memref<10016xi32, #tpu.memory_space<vmem>>
      tpu.vector_store_idx %scatter3A_192[%mul3A_188], %get3A_190 : memref<10016xi32, #tpu.memory_space<vmem>>[vector<16xi32>], vector<16xi32>,
      %add3A_193 = arith.constant 1 : i32
      %add3A_194 = vector.broadcast %add3A_193 : i32 to vector<16xi32>
      %add3A_195 = arith.addi %mul3A_188, %add3A_194 : vector<16xi32>
      %get3A_196 = arith.index_cast %mul3A_181 : i32 to index
      %get3A_197 = tpu.vector_load %arg11[%get3A_196] {strides = array<i32>} : memref<5008xi32, #tpu.memory_space<vmem>>, vector<16xi32>,
      %scatter3A_198 = arith.constant 0 : i32
      %scatter3A_199 = tpu.memref_slice %arg5[%scatter3A_198] : memref<10016xi32, #tpu.memory_space<vmem>> -> memref<10016xi32, #tpu.memory_space<vmem>>
      tpu.vector_store_idx %scatter3A_199[%add3A_195], %get3A_197 : memref<10016xi32, #tpu.memory_space<vmem>>[vector<16xi32>], vector<16xi32>,
      %scan3A_200 = arith.constant 0 : i32
      scf.yield %scan3A_200 : i32
    }
    %scan3A_33 = arith.constant 312 : i32
    %scan3A_34 = arith.addi %scan3A_28, %scan3A_33 : i32
    %mul3A_35 = arith.constant 16 : i32
    %mul3A_36 = arith.muli %scan3A_34, %mul3A_35 : i32
    %mul3A_37 = arith.constant 16 : i32
    %mul3A_38 = arith.muli %scan3A_34, %mul3A_37 : i32
    %add3A_39 = vector.broadcast %mul3A_38 : i32 to vector<16xi32>
    %add3A_40 = arith.addi %add3A_39, %iota3A : vector<16xi32>
    %mul3A_41 = arith.constant 2 : i32
    %mul3A_42 = vector.broadcast %mul3A_41 : i32 to vector<16xi32>
    %mul3A_43 = arith.muli %add3A_40, %mul3A_42 : vector<16xi32>
    %get3A = arith.index_cast %mul3A_36 : i32 to index
    %get3A_44 = tpu.vector_load %arg10[%get3A] {strides = array<i32>} : memref<5008xi32, #tpu.memory_space<vmem>>, vector<16xi32>,
    %scatter3A = arith.constant 0 : i32
    %scatter3A_45 = tpu.memref_slice %arg5[%scatter3A] : memref<10016xi32, #tpu.memory_space<vmem>> -> memref<10016xi32, #tpu.memory_space<vmem>>
    tpu.vector_store_idx %scatter3A_45[%mul3A_43], %get3A_44 : memref<10016xi32, #tpu.memory_space<vmem>>[vector<16xi32>], vector<16xi32>,
    %add3A_46 = arith.constant 1 : i32
    %add3A_47 = vector.broadcast %add3A_46 : i32 to vector<16xi32>
    %add3A_48 = arith.addi %mul3A_43, %add3A_47 : vector<16xi32>
    %get3A_49 = arith.index_cast %mul3A_36 : i32 to index
    %get3A_50 = tpu.vector_load %arg11[%get3A_49] {strides = array<i32>} : memref<5008xi32, #tpu.memory_space<vmem>>, vector<16xi32>,
    %scatter3A_51 = arith.constant 0 : i32
    %scatter3A_52 = tpu.memref_slice %arg5[%scatter3A_51] : memref<10016xi32, #tpu.memory_space<vmem>> -> memref<10016xi32, #tpu.memory_space<vmem>>
    tpu.vector_store_idx %scatter3A_52[%add3A_48], %get3A_50 : memref<10016xi32, #tpu.memory_space<vmem>>[vector<16xi32>], vector<16xi32>,
    %scan3A_53 = arith.constant 0 : i32
    %scan3A_54 = arith.constant 313 : i32
    "tpu.region"() ({
      %run_scoped3A = tpu.sem_alloc : memref<!tpu.dma_semaphore, #tpu.memory_space<semaphore_mem>>
      %dma_start3A = arith.constant 0 : i32
      %dma_start3A_109 = arith.constant 0 : i32
      %dma_start3A_110 = tpu.memref_slice %arg3[%add3A, %dma_start3A, %dma_start3A_109] : memref<32x80x128xi32, #tpu.memory_space<hbm>> -> memref<1x80x128xi32, #tpu.memory_space<hbm>>
      %dma_start3A_111 = tpu.memref_squeeze %dma_start3A_110 : memref<1x80x128xi32, #tpu.memory_space<hbm>> -> memref<80x128xi32, #tpu.memory_space<hbm>>
      %dma_start3A_112 = arith.constant 0 : i32
      %dma_start3A_113 = arith.constant 0 : i32
      %dma_start3A_114 = tpu.memref_slice %arg3[%add3A, %dma_start3A_112, %dma_start3A_113] : memref<32x80x128xi32, #tpu.memory_space<hbm>> -> memref<1x80x128xi32, #tpu.memory_space<hbm>>
      %dma_start3A_115 = tpu.memref_squeeze %dma_start3A_114 : memref<1x80x128xi32, #tpu.memory_space<hbm>> -> memref<80x128xi32, #tpu.memory_space<hbm>>
      tpu.enqueue_dma source(%dma_start3A_115 : memref<80x128xi32, #tpu.memory_space<hbm>>) target(%arg6 : memref<80x128xi32, #tpu.memory_space<vmem>>) target_semaphore(%run_scoped3A : memref<!tpu.dma_semaphore, #tpu.memory_space<semaphore_mem>>)
      %dma_wait3A = arith.constant 0 : i32
      %dma_wait3A_116 = arith.constant 0 : i32
      %dma_wait3A_117 = tpu.memref_slice %arg3[%add3A, %dma_wait3A, %dma_wait3A_116] : memref<32x80x128xi32, #tpu.memory_space<hbm>> -> memref<1x80x128xi32, #tpu.memory_space<hbm>>
      %dma_wait3A_118 = tpu.memref_squeeze %dma_wait3A_117 : memref<1x80x128xi32, #tpu.memory_space<hbm>> -> memref<80x128xi32, #tpu.memory_space<hbm>>
      %dma_wait3A_119 = arith.constant 0 : i32
      %dma_wait3A_120 = arith.constant 0 : i32
      %dma_wait3A_121 = tpu.memref_slice %arg3[%add3A, %dma_wait3A_119, %dma_wait3A_120] : memref<32x80x128xi32, #tpu.memory_space<hbm>> -> memref<1x80x128xi32, #tpu.memory_space<hbm>>
      %dma_wait3A_122 = tpu.memref_squeeze %dma_wait3A_121 : memref<1x80x128xi32, #tpu.memory_space<hbm>> -> memref<80x128xi32, #tpu.memory_space<hbm>>
      tpu.wait_dma2 semaphore(%run_scoped3A : memref<!tpu.dma_semaphore, #tpu.memory_space<semaphore_mem>>) src(%dma_wait3A_122 : memref<80x128xi32, #tpu.memory_space<hbm>>) dst(%arg6 : memref<80x128xi32, #tpu.memory_space<vmem>>)
      tpu.yield
    }) : () -> ()
    %barrier3A = arith.constant 0 : index
    tpu.barrier barrier_id(%barrier3A)
    %iota3A_55 = tpu.iota {dimensions = array<i32: 0>} : vector<16xi32>
    %mul3A_56 = arith.constant 10000 : i32
    %mul3A_57 = arith.muli %add3A, %mul3A_56 : i32
    %scan3A_58 = arith.constant 0 : i32
    %scan3A_59 = arith.constant 0 : i32
    %scan3A_60 = arith.constant 624 : i32
    %scan3A_61 = arith.addi %scan3A_59, %scan3A_60 : i32
    %scan3A_62 = arith.constant 2 : i32
    %scan3A_63 = scf.for %scan3A_109 = %scan3A_59 to %scan3A_61 step %scan3A_62 iter_args(%scan3A_110 = %scan3A_58) -> (i32)  : i32 {
      %mul3A_111 = arith.constant 16 : i32
      %mul3A_112 = arith.muli %scan3A_109, %mul3A_111 : i32
      %get3A_113 = arith.index_cast %mul3A_112 : i32 to index
      %get3A_114 = tpu.vector_load %arg5[%get3A_113] {strides = array<i32>} : memref<10016xi32, #tpu.memory_space<vmem>>, vector<16xi32>,
      %shift_right_arithmetic3A_115 = arith.constant 7 : i32
      %shift_right_arithmetic3A_116 = vector.broadcast %shift_right_arithmetic3A_115 : i32 to vector<16xi32>
      %shift_right_arithmetic3A_117 = arith.shrsi %get3A_114, %shift_right_arithmetic3A_116 : vector<16xi32>
      %and3A_118 = arith.constant 127 : i32
      %and3A_119 = vector.broadcast %and3A_118 : i32 to vector<16xi32>
      %and3A_120 = arith.andi %get3A_114, %and3A_119 : vector<16xi32>
      %broadcast_in_dim3A_121 = arith.constant true
      %broadcast_in_dim3A_122 = vector.broadcast %broadcast_in_dim3A_121 : i1 to vector<16xi1>
      %unique3A_123, %unique3A_124 = tpu.scan_count mask(%broadcast_in_dim3A_122 : vector<16xi1>) value(%get3A_114 : vector<16xi32>) : vector<16xi1>, vector<16xi32>
      %gather3A_125 = arith.constant 0 : i32
      %gather3A_126 = arith.constant 0 : i32
      %gather3A_127 = tpu.memref_slice %arg6[%gather3A_125, %gather3A_126] : memref<80x128xi32, #tpu.memory_space<vmem>> -> memref<80x128xi32, #tpu.memory_space<vmem>>
      %gather3A_128 = tpu.vector_load_idx %gather3A_127[%shift_right_arithmetic3A_117, %and3A_120] : memref<80x128xi32, #tpu.memory_space<vmem>>[vector<16xi32>, vector<16xi32>], vector<16xi32>,
      %add3A_129 = arith.addi %gather3A_128, %unique3A_124 : vector<16xi32>
      %sub3A_130 = arith.constant 1 : i32
      %sub3A_131 = vector.broadcast %sub3A_130 : i32 to vector<16xi32>
      %sub3A_132 = arith.subi %add3A_129, %sub3A_131 : vector<16xi32>
      %swap3A_133 = arith.index_cast %mul3A_112 : i32 to index
      %swap3A_134 = tpu.vector_load %arg7[%swap3A_133] {strides = array<i32>} : memref<10000xi32, #tpu.memory_space<vmem>>, vector<16xi32>,
      tpu.vector_store %arg7[%swap3A_133], %sub3A_132 {strides = array<i32>} : memref<10000xi32, #tpu.memory_space<vmem>>, vector<16xi32>,
      %add3A_135 = arith.addi %gather3A_128, %unique3A_124 : vector<16xi32>
      %scatter3A_136 = arith.constant 0 : i32
      %scatter3A_137 = arith.constant 0 : i32
      %scatter3A_138 = tpu.memref_slice %arg6[%scatter3A_136, %scatter3A_137] : memref<80x128xi32, #tpu.memory_space<vmem>> -> memref<80x128xi32, #tpu.memory_space<vmem>>
      tpu.vector_store_idx %scatter3A_138[%shift_right_arithmetic3A_117, %and3A_120], %add3A_135 masked %unique3A_123 : memref<80x128xi32, #tpu.memory_space<vmem>>[vector<16xi32>, vector<16xi32>], vector<16xi32>, vector<16xi1>
      %mul3A_139 = arith.constant 16 : i32
      %mul3A_140 = arith.muli %scan3A_109, %mul3A_139 : i32
      %add3A_141 = arith.addi %mul3A_57, %mul3A_140 : i32
      %add3A_142 = vector.broadcast %add3A_141 : i32 to vector<16xi32>
      %add3A_143 = arith.addi %add3A_142, %iota3A_55 : vector<16xi32>
      %shift_right_arithmetic3A_144 = arith.constant 1 : i32
      %shift_right_arithmetic3A_145 = vector.broadcast %shift_right_arithmetic3A_144 : i32 to vector<16xi32>
      %shift_right_arithmetic3A_146 = arith.shrsi %add3A_143, %shift_right_arithmetic3A_145 : vector<16xi32>
      %swap3A_147 = arith.index_cast %mul3A_112 : i32 to index
      %swap3A_148 = tpu.vector_load %arg8[%swap3A_147] {strides = array<i32>} : memref<10000xi32, #tpu.memory_space<vmem>>, vector<16xi32>,
      tpu.vector_store %arg8[%swap3A_147], %shift_right_arithmetic3A_146 {strides = array<i32>} : memref<10000xi32, #tpu.memory_space<vmem>>, vector<16xi32>,
      %scan3A_149 = arith.constant 0 : i32
      %scan3A_150 = arith.constant 1 : i32
      %scan3A_151 = arith.addi %scan3A_109, %scan3A_150 : i32
      %mul3A_152 = arith.constant 16 : i32
      %mul3A_153 = arith.muli %scan3A_151, %mul3A_152 : i32
      %get3A_154 = arith.index_cast %mul3A_153 : i32 to index
      %get3A_155 = tpu.vector_load %arg5[%get3A_154] {strides = array<i32>} : memref<10016xi32, #tpu.memory_space<vmem>>, vector<16xi32>,
      %shift_right_arithmetic3A_156 = arith.constant 7 : i32
      %shift_right_arithmetic3A_157 = vector.broadcast %shift_right_arithmetic3A_156 : i32 to vector<16xi32>
      %shift_right_arithmetic3A_158 = arith.shrsi %get3A_155, %shift_right_arithmetic3A_157 : vector<16xi32>
      %and3A_159 = arith.constant 127 : i32
      %and3A_160 = vector.broadcast %and3A_159 : i32 to vector<16xi32>
      %and3A_161 = arith.andi %get3A_155, %and3A_160 : vector<16xi32>
      %broadcast_in_dim3A_162 = arith.constant true
      %broadcast_in_dim3A_163 = vector.broadcast %broadcast_in_dim3A_162 : i1 to vector<16xi1>
      %unique3A_164, %unique3A_165 = tpu.scan_count mask(%broadcast_in_dim3A_163 : vector<16xi1>) value(%get3A_155 : vector<16xi32>) : vector<16xi1>, vector<16xi32>
      %gather3A_166 = arith.constant 0 : i32
      %gather3A_167 = arith.constant 0 : i32
      %gather3A_168 = tpu.memref_slice %arg6[%gather3A_166, %gather3A_167] : memref<80x128xi32, #tpu.memory_space<vmem>> -> memref<80x128xi32, #tpu.memory_space<vmem>>
      %gather3A_169 = tpu.vector_load_idx %gather3A_168[%shift_right_arithmetic3A_158, %and3A_161] : memref<80x128xi32, #tpu.memory_space<vmem>>[vector<16xi32>, vector<16xi32>], vector<16xi32>,
      %add3A_170 = arith.addi %gather3A_169, %unique3A_165 : vector<16xi32>
      %sub3A_171 = arith.constant 1 : i32
      %sub3A_172 = vector.broadcast %sub3A_171 : i32 to vector<16xi32>
      %sub3A_173 = arith.subi %add3A_170, %sub3A_172 : vector<16xi32>
      %swap3A_174 = arith.index_cast %mul3A_153 : i32 to index
      %swap3A_175 = tpu.vector_load %arg7[%swap3A_174] {strides = array<i32>} : memref<10000xi32, #tpu.memory_space<vmem>>, vector<16xi32>,
      tpu.vector_store %arg7[%swap3A_174], %sub3A_173 {strides = array<i32>} : memref<10000xi32, #tpu.memory_space<vmem>>, vector<16xi32>,
      %add3A_176 = arith.addi %gather3A_169, %unique3A_165 : vector<16xi32>
      %scatter3A_177 = arith.constant 0 : i32
      %scatter3A_178 = arith.constant 0 : i32
      %scatter3A_179 = tpu.memref_slice %arg6[%scatter3A_177, %scatter3A_178] : memref<80x128xi32, #tpu.memory_space<vmem>> -> memref<80x128xi32, #tpu.memory_space<vmem>>
      tpu.vector_store_idx %scatter3A_179[%shift_right_arithmetic3A_158, %and3A_161], %add3A_176 masked %unique3A_164 : memref<80x128xi32, #tpu.memory_space<vmem>>[vector<16xi32>, vector<16xi32>], vector<16xi32>, vector<16xi1>
      %mul3A_180 = arith.constant 16 : i32
      %mul3A_181 = arith.muli %scan3A_151, %mul3A_180 : i32
      %add3A_182 = arith.addi %mul3A_57, %mul3A_181 : i32
      %add3A_183 = vector.broadcast %add3A_182 : i32 to vector<16xi32>
      %add3A_184 = arith.addi %add3A_183, %iota3A_55 : vector<16xi32>
      %shift_right_arithmetic3A_185 = arith.constant 1 : i32
      %shift_right_arithmetic3A_186 = vector.broadcast %shift_right_arithmetic3A_185 : i32 to vector<16xi32>
      %shift_right_arithmetic3A_187 = arith.shrsi %add3A_184, %shift_right_arithmetic3A_186 : vector<16xi32>
      %swap3A_188 = arith.index_cast %mul3A_153 : i32 to index
      %swap3A_189 = tpu.vector_load %arg8[%swap3A_188] {strides = array<i32>} : memref<10000xi32, #tpu.memory_space<vmem>>, vector<16xi32>,
      tpu.vector_store %arg8[%swap3A_188], %shift_right_arithmetic3A_187 {strides = array<i32>} : memref<10000xi32, #tpu.memory_space<vmem>>, vector<16xi32>,
      %scan3A_190 = arith.constant 0 : i32
      scf.yield %scan3A_190 : i32
    }
    %scan3A_64 = arith.constant 624 : i32
    %scan3A_65 = arith.addi %scan3A_59, %scan3A_64 : i32
    %mul3A_66 = arith.constant 16 : i32
    %mul3A_67 = arith.muli %scan3A_65, %mul3A_66 : i32
    %get3A_68 = arith.index_cast %mul3A_67 : i32 to index
    %get3A_69 = tpu.vector_load %arg5[%get3A_68] {strides = array<i32>} : memref<10016xi32, #tpu.memory_space<vmem>>, vector<16xi32>,
    %shift_right_arithmetic3A = arith.constant 7 : i32
    %shift_right_arithmetic3A_70 = vector.broadcast %shift_right_arithmetic3A : i32 to vector<16xi32>
    %shift_right_arithmetic3A_71 = arith.shrsi %get3A_69, %shift_right_arithmetic3A_70 : vector<16xi32>
    %and3A = arith.constant 127 : i32
    %and3A_72 = vector.broadcast %and3A : i32 to vector<16xi32>
    %and3A_73 = arith.andi %get3A_69, %and3A_72 : vector<16xi32>
    %broadcast_in_dim3A_74 = arith.constant true
    %broadcast_in_dim3A_75 = vector.broadcast %broadcast_in_dim3A_74 : i1 to vector<16xi1>
    %unique3A, %unique3A_76 = tpu.scan_count mask(%broadcast_in_dim3A_75 : vector<16xi1>) value(%get3A_69 : vector<16xi32>) : vector<16xi1>, vector<16xi32>
    %gather3A = arith.constant 0 : i32
    %gather3A_77 = arith.constant 0 : i32
    %gather3A_78 = tpu.memref_slice %arg6[%gather3A, %gather3A_77] : memref<80x128xi32, #tpu.memory_space<vmem>> -> memref<80x128xi32, #tpu.memory_space<vmem>>
    %gather3A_79 = tpu.vector_load_idx %gather3A_78[%shift_right_arithmetic3A_71, %and3A_73] : memref<80x128xi32, #tpu.memory_space<vmem>>[vector<16xi32>, vector<16xi32>], vector<16xi32>,
    %add3A_80 = arith.addi %gather3A_79, %unique3A_76 : vector<16xi32>
    %sub3A = arith.constant 1 : i32
    %sub3A_81 = vector.broadcast %sub3A : i32 to vector<16xi32>
    %sub3A_82 = arith.subi %add3A_80, %sub3A_81 : vector<16xi32>
    %swap3A_83 = arith.index_cast %mul3A_67 : i32 to index
    %swap3A_84 = tpu.vector_load %arg7[%swap3A_83] {strides = array<i32>} : memref<10000xi32, #tpu.memory_space<vmem>>, vector<16xi32>,
    tpu.vector_store %arg7[%swap3A_83], %sub3A_82 {strides = array<i32>} : memref<10000xi32, #tpu.memory_space<vmem>>, vector<16xi32>,
    %add3A_85 = arith.addi %gather3A_79, %unique3A_76 : vector<16xi32>
    %scatter3A_86 = arith.constant 0 : i32
    %scatter3A_87 = arith.constant 0 : i32
    %scatter3A_88 = tpu.memref_slice %arg6[%scatter3A_86, %scatter3A_87] : memref<80x128xi32, #tpu.memory_space<vmem>> -> memref<80x128xi32, #tpu.memory_space<vmem>>
    tpu.vector_store_idx %scatter3A_88[%shift_right_arithmetic3A_71, %and3A_73], %add3A_85 masked %unique3A : memref<80x128xi32, #tpu.memory_space<vmem>>[vector<16xi32>, vector<16xi32>], vector<16xi32>, vector<16xi1>
    %mul3A_89 = arith.constant 16 : i32
    %mul3A_90 = arith.muli %scan3A_65, %mul3A_89 : i32
    %add3A_91 = arith.addi %mul3A_57, %mul3A_90 : i32
    %add3A_92 = vector.broadcast %add3A_91 : i32 to vector<16xi32>
    %add3A_93 = arith.addi %add3A_92, %iota3A_55 : vector<16xi32>
    %shift_right_arithmetic3A_94 = arith.constant 1 : i32
    %shift_right_arithmetic3A_95 = vector.broadcast %shift_right_arithmetic3A_94 : i32 to vector<16xi32>
    %shift_right_arithmetic3A_96 = arith.shrsi %add3A_93, %shift_right_arithmetic3A_95 : vector<16xi32>
    %swap3A_97 = arith.index_cast %mul3A_67 : i32 to index
    %swap3A_98 = tpu.vector_load %arg8[%swap3A_97] {strides = array<i32>} : memref<10000xi32, #tpu.memory_space<vmem>>, vector<16xi32>,
    tpu.vector_store %arg8[%swap3A_97], %shift_right_arithmetic3A_96 {strides = array<i32>} : memref<10000xi32, #tpu.memory_space<vmem>>, vector<16xi32>,
    %scan3A_99 = arith.constant 0 : i32
    %scan3A_100 = arith.constant 625 : i32
    "tpu.region"() ({
      %run_scoped3A = tpu.sem_alloc : memref<!tpu.dma_semaphore, #tpu.memory_space<semaphore_mem>>
      %dma_start3A = arith.constant 0 : i32
      %dma_start3A_109 = tpu.memref_slice %arg12[%dma_start3A] : memref<320000xi32, #tpu.memory_space<vmem_shared>> -> memref<320000xi32, #tpu.memory_space<vmem_shared>>
      tpu.enqueue_indirect_dma source(%arg8 : memref<10000xi32, #tpu.memory_space<vmem>>) target(%dma_start3A_109 : memref<320000xi32, #tpu.memory_space<vmem_shared>>) offsets(%arg7 : memref<10000xi32, #tpu.memory_space<vmem>>) semaphore(%run_scoped3A : memref<!tpu.dma_semaphore, #tpu.memory_space<semaphore_mem>>) {add = true}
      %dma_wait3A = arith.constant 0 : i32
      %dma_wait3A_110 = tpu.memref_slice %arg12[%dma_wait3A] : memref<320000xi32, #tpu.memory_space<vmem_shared>> -> memref<320000xi32, #tpu.memory_space<vmem_shared>>
      tpu.wait_indirect_dma semaphore(%run_scoped3A : memref<!tpu.dma_semaphore, #tpu.memory_space<semaphore_mem>>) src(%arg8 : memref<10000xi32, #tpu.memory_space<vmem>>) dst(%dma_wait3A_110 : memref<320000xi32, #tpu.memory_space<vmem_shared>>)
      tpu.yield
    }) : () -> ()
    %barrier3A_101 = arith.constant 0 : index
    tpu.barrier barrier_id(%barrier3A_101)
    %mul3A_102 = arith.constant 20000 : i32
    %mul3A_103 = arith.muli %arg1, %mul3A_102 : i32
    "tpu.region"() ({
      %run_scoped3A = tpu.sem_alloc : memref<!tpu.dma_semaphore, #tpu.memory_space<semaphore_mem>>
      %dma_start3A = tpu.memref_slice %arg12[%mul3A_103] : memref<320000xi32, #tpu.memory_space<vmem_shared>> -> memref<20000xi32, #tpu.memory_space<vmem_shared>>
      %dma_start3A_109 = tpu.memref_slice %arg12[%mul3A_103] : memref<320000xi32, #tpu.memory_space<vmem_shared>> -> memref<20000xi32, #tpu.memory_space<vmem_shared>>
      tpu.enqueue_dma source(%dma_start3A_109 : memref<20000xi32, #tpu.memory_space<vmem_shared>>) target(%arg9 : memref<20000xi32, #tpu.memory_space<vmem>>) target_semaphore(%run_scoped3A : memref<!tpu.dma_semaphore, #tpu.memory_space<semaphore_mem>>)
      %dma_wait3A = tpu.memref_slice %arg12[%mul3A_103] : memref<320000xi32, #tpu.memory_space<vmem_shared>> -> memref<20000xi32, #tpu.memory_space<vmem_shared>>
      %dma_wait3A_110 = tpu.memref_slice %arg12[%mul3A_103] : memref<320000xi32, #tpu.memory_space<vmem_shared>> -> memref<20000xi32, #tpu.memory_space<vmem_shared>>
      tpu.wait_dma2 semaphore(%run_scoped3A : memref<!tpu.dma_semaphore, #tpu.memory_space<semaphore_mem>>) src(%dma_wait3A_110 : memref<20000xi32, #tpu.memory_space<vmem_shared>>) dst(%arg9 : memref<20000xi32, #tpu.memory_space<vmem>>)
      tpu.yield
    }) : () -> ()
    %mul3A_104 = arith.constant 320000 : i32
    %mul3A_105 = arith.muli %arg0, %mul3A_104 : i32
    %mul3A_106 = arith.constant 20000 : i32
    %mul3A_107 = arith.muli %arg1, %mul3A_106 : i32
    %add3A_108 = arith.addi %mul3A_105, %mul3A_107 : i32
    "tpu.region"() ({
      %run_scoped3A = tpu.sem_alloc : memref<!tpu.dma_semaphore, #tpu.memory_space<semaphore_mem>>
      %dma_start3A = tpu.memref_slice %arg4[%add3A_108] : memref<640000xi32, #tpu.memory_space<hbm>> -> memref<20000xi32, #tpu.memory_space<hbm>>
      %dma_start3A_109 = tpu.memref_slice %arg4[%add3A_108] : memref<640000xi32, #tpu.memory_space<hbm>> -> memref<20000xi32, #tpu.memory_space<hbm>>
      tpu.enqueue_dma source(%arg9 : memref<20000xi32, #tpu.memory_space<vmem>>) target(%dma_start3A_109 : memref<20000xi32, #tpu.memory_space<hbm>>) target_semaphore(%run_scoped3A : memref<!tpu.dma_semaphore, #tpu.memory_space<semaphore_mem>>)
      %dma_wait3A = tpu.memref_slice %arg4[%add3A_108] : memref<640000xi32, #tpu.memory_space<hbm>> -> memref<20000xi32, #tpu.memory_space<hbm>>
      %dma_wait3A_110 = tpu.memref_slice %arg4[%add3A_108] : memref<640000xi32, #tpu.memory_space<hbm>> -> memref<20000xi32, #tpu.memory_space<hbm>>
      tpu.wait_dma2 semaphore(%run_scoped3A : memref<!tpu.dma_semaphore, #tpu.memory_space<semaphore_mem>>) src(%arg9 : memref<20000xi32, #tpu.memory_space<vmem>>) dst(%dma_wait3A_110 : memref<20000xi32, #tpu.memory_space<hbm>>)
      tpu.yield
    }) : () -> ()
    return
  }
}

#map = affine_map<(d0, d1) -> (0, 0)>
#map1 = affine_map<(d0, d1) -> (0)>
module attributes {stable_mosaic.version = 14 : i64} {
  func.func @_k4_gather(%arg0: i32, %arg1: i32, %arg2: memref<160000x128xf32, #tpu.memory_space<hbm>>, %arg3: memref<640000xi32, #tpu.memory_space<hbm>>, %arg4: memref<5120000xf32, #tpu.memory_space<hbm>>, %arg5: memref<10000xi32, #tpu.memory_space<vmem>>, %arg6: memref<10000xi32, #tpu.memory_space<vmem>>, %arg7: memref<400x128xf32, #tpu.memory_space<vmem>>, %arg8: memref<400x128xf32, #tpu.memory_space<vmem>>, %arg9: memref<6400xf32, #tpu.memory_space<vmem>>, %arg10: memref<!tpu.dma_semaphore, #tpu.memory_space<semaphore_mem>>, %arg11: memref<!tpu.dma_semaphore, #tpu.memory_space<semaphore_mem>>) attributes {dimension_semantics = [#tpu.dimension_semantics<core_parallel>, #tpu.dimension_semantics<subcore_parallel>], iteration_bounds = array<i64: 2, 16>, scalar_prefetch = 0 : i64, scratch_operands = 7 : i64, tpu.core_type = #tpu.core_type<sc_vector_subcore>, window_params = [{transform_indices = #map}, {transform_indices = #map1}, {transform_indices = #map1}]} {
    %mul3A = arith.constant 2 : i32
    %mul3A_0 = arith.muli %arg1, %mul3A : i32
    %add3A = arith.addi %mul3A_0, %arg0 : i32
    %mul3A_1 = arith.constant 10000 : i32
    %mul3A_2 = arith.muli %add3A, %mul3A_1 : i32
    "tpu.region"() ({
      %run_scoped3A = tpu.sem_alloc : memref<!tpu.dma_semaphore, #tpu.memory_space<semaphore_mem>>
      %dma_start3A_32 = tpu.memref_slice %arg3[%mul3A_2] : memref<640000xi32, #tpu.memory_space<hbm>> -> memref<10000xi32, #tpu.memory_space<hbm>>
      %dma_start3A_33 = tpu.memref_slice %arg3[%mul3A_2] : memref<640000xi32, #tpu.memory_space<hbm>> -> memref<10000xi32, #tpu.memory_space<hbm>>
      tpu.enqueue_dma source(%dma_start3A_33 : memref<10000xi32, #tpu.memory_space<hbm>>) target(%arg5 : memref<10000xi32, #tpu.memory_space<vmem>>) target_semaphore(%run_scoped3A : memref<!tpu.dma_semaphore, #tpu.memory_space<semaphore_mem>>)
      %dma_wait3A = tpu.memref_slice %arg3[%mul3A_2] : memref<640000xi32, #tpu.memory_space<hbm>> -> memref<10000xi32, #tpu.memory_space<hbm>>
      %dma_wait3A_34 = tpu.memref_slice %arg3[%mul3A_2] : memref<640000xi32, #tpu.memory_space<hbm>> -> memref<10000xi32, #tpu.memory_space<hbm>>
      tpu.wait_dma2 semaphore(%run_scoped3A : memref<!tpu.dma_semaphore, #tpu.memory_space<semaphore_mem>>) src(%dma_wait3A_34 : memref<10000xi32, #tpu.memory_space<hbm>>) dst(%arg5 : memref<10000xi32, #tpu.memory_space<vmem>>)
      tpu.yield
    }) : () -> ()
    %add3A_3 = arith.constant 320000 : i32
    %add3A_4 = arith.addi %add3A_3, %mul3A_2 : i32
    "tpu.region"() ({
      %run_scoped3A = tpu.sem_alloc : memref<!tpu.dma_semaphore, #tpu.memory_space<semaphore_mem>>
      %dma_start3A_32 = tpu.memref_slice %arg3[%add3A_4] : memref<640000xi32, #tpu.memory_space<hbm>> -> memref<10000xi32, #tpu.memory_space<hbm>>
      %dma_start3A_33 = tpu.memref_slice %arg3[%add3A_4] : memref<640000xi32, #tpu.memory_space<hbm>> -> memref<10000xi32, #tpu.memory_space<hbm>>
      tpu.enqueue_dma source(%dma_start3A_33 : memref<10000xi32, #tpu.memory_space<hbm>>) target(%arg6 : memref<10000xi32, #tpu.memory_space<vmem>>) target_semaphore(%run_scoped3A : memref<!tpu.dma_semaphore, #tpu.memory_space<semaphore_mem>>)
      %dma_wait3A = tpu.memref_slice %arg3[%add3A_4] : memref<640000xi32, #tpu.memory_space<hbm>> -> memref<10000xi32, #tpu.memory_space<hbm>>
      %dma_wait3A_34 = tpu.memref_slice %arg3[%add3A_4] : memref<640000xi32, #tpu.memory_space<hbm>> -> memref<10000xi32, #tpu.memory_space<hbm>>
      tpu.wait_dma2 semaphore(%run_scoped3A : memref<!tpu.dma_semaphore, #tpu.memory_space<semaphore_mem>>) src(%dma_wait3A_34 : memref<10000xi32, #tpu.memory_space<hbm>>) dst(%arg6 : memref<10000xi32, #tpu.memory_space<vmem>>)
      tpu.yield
    }) : () -> ()
    %scan3A = arith.constant 0 : i32
    %scan3A_5 = arith.constant 0 : i32
    %scan3A_6 = arith.constant 624 : i32
    %scan3A_7 = arith.addi %scan3A_5, %scan3A_6 : i32
    %scan3A_8 = arith.constant 4 : i32
    %scan3A_9 = scf.for %scan3A_32 = %scan3A_5 to %scan3A_7 step %scan3A_8 iter_args(%scan3A_33 = %scan3A) -> (i32)  : i32 {
      %mul3A_34 = arith.constant 16 : i32
      %mul3A_35 = arith.muli %scan3A_32, %mul3A_34 : i32
      %get3A_36 = arith.index_cast %mul3A_35 : i32 to index
      %get3A_37 = tpu.vector_load %arg5[%get3A_36] {strides = array<i32>} : memref<10000xi32, #tpu.memory_space<vmem>>, vector<16xi32>,
      %get3A_38 = arith.index_cast %mul3A_35 : i32 to index
      %get3A_39 = tpu.vector_load %arg6[%get3A_38] {strides = array<i32>} : memref<10000xi32, #tpu.memory_space<vmem>>, vector<16xi32>,
      %add3A_40 = arith.addi %get3A_37, %get3A_39 : vector<16xi32>
      %swap3A_41 = arith.index_cast %mul3A_35 : i32 to index
      %swap3A_42 = tpu.vector_load %arg5[%swap3A_41] {strides = array<i32>} : memref<10000xi32, #tpu.memory_space<vmem>>, vector<16xi32>,
      tpu.vector_store %arg5[%swap3A_41], %add3A_40 {strides = array<i32>} : memref<10000xi32, #tpu.memory_space<vmem>>, vector<16xi32>,
      %scan3A_43 = arith.constant 0 : i32
      %scan3A_44 = arith.constant 1 : i32
      %scan3A_45 = arith.addi %scan3A_32, %scan3A_44 : i32
      %mul3A_46 = arith.constant 16 : i32
      %mul3A_47 = arith.muli %scan3A_45, %mul3A_46 : i32
      %get3A_48 = arith.index_cast %mul3A_47 : i32 to index
      %get3A_49 = tpu.vector_load %arg5[%get3A_48] {strides = array<i32>} : memref<10000xi32, #tpu.memory_space<vmem>>, vector<16xi32>,
      %get3A_50 = arith.index_cast %mul3A_47 : i32 to index
      %get3A_51 = tpu.vector_load %arg6[%get3A_50] {strides = array<i32>} : memref<10000xi32, #tpu.memory_space<vmem>>, vector<16xi32>,
      %add3A_52 = arith.addi %get3A_49, %get3A_51 : vector<16xi32>
      %swap3A_53 = arith.index_cast %mul3A_47 : i32 to index
      %swap3A_54 = tpu.vector_load %arg5[%swap3A_53] {strides = array<i32>} : memref<10000xi32, #tpu.memory_space<vmem>>, vector<16xi32>,
      tpu.vector_store %arg5[%swap3A_53], %add3A_52 {strides = array<i32>} : memref<10000xi32, #tpu.memory_space<vmem>>, vector<16xi32>,
      %scan3A_55 = arith.constant 0 : i32
      %scan3A_56 = arith.constant 2 : i32
      %scan3A_57 = arith.addi %scan3A_32, %scan3A_56 : i32
      %mul3A_58 = arith.constant 16 : i32
      %mul3A_59 = arith.muli %scan3A_57, %mul3A_58 : i32
      %get3A_60 = arith.index_cast %mul3A_59 : i32 to index
      %get3A_61 = tpu.vector_load %arg5[%get3A_60] {strides = array<i32>} : memref<10000xi32, #tpu.memory_space<vmem>>, vector<16xi32>,
      %get3A_62 = arith.index_cast %mul3A_59 : i32 to index
      %get3A_63 = tpu.vector_load %arg6[%get3A_62] {strides = array<i32>} : memref<10000xi32, #tpu.memory_space<vmem>>, vector<16xi32>,
      %add3A_64 = arith.addi %get3A_61, %get3A_63 : vector<16xi32>
      %swap3A_65 = arith.index_cast %mul3A_59 : i32 to index
      %swap3A_66 = tpu.vector_load %arg5[%swap3A_65] {strides = array<i32>} : memref<10000xi32, #tpu.memory_space<vmem>>, vector<16xi32>,
      tpu.vector_store %arg5[%swap3A_65], %add3A_64 {strides = array<i32>} : memref<10000xi32, #tpu.memory_space<vmem>>, vector<16xi32>,
      %scan3A_67 = arith.constant 0 : i32
      %scan3A_68 = arith.constant 3 : i32
      %scan3A_69 = arith.addi %scan3A_32, %scan3A_68 : i32
      %mul3A_70 = arith.constant 16 : i32
      %mul3A_71 = arith.muli %scan3A_69, %mul3A_70 : i32
      %get3A_72 = arith.index_cast %mul3A_71 : i32 to index
      %get3A_73 = tpu.vector_load %arg5[%get3A_72] {strides = array<i32>} : memref<10000xi32, #tpu.memory_space<vmem>>, vector<16xi32>,
      %get3A_74 = arith.index_cast %mul3A_71 : i32 to index
      %get3A_75 = tpu.vector_load %arg6[%get3A_74] {strides = array<i32>} : memref<10000xi32, #tpu.memory_space<vmem>>, vector<16xi32>,
      %add3A_76 = arith.addi %get3A_73, %get3A_75 : vector<16xi32>
      %swap3A_77 = arith.index_cast %mul3A_71 : i32 to index
      %swap3A_78 = tpu.vector_load %arg5[%swap3A_77] {strides = array<i32>} : memref<10000xi32, #tpu.memory_space<vmem>>, vector<16xi32>,
      tpu.vector_store %arg5[%swap3A_77], %add3A_76 {strides = array<i32>} : memref<10000xi32, #tpu.memory_space<vmem>>, vector<16xi32>,
      %scan3A_79 = arith.constant 0 : i32
      scf.yield %scan3A_79 : i32
    }
    %scan3A_10 = arith.constant 624 : i32
    %scan3A_11 = arith.addi %scan3A_5, %scan3A_10 : i32
    %mul3A_12 = arith.constant 16 : i32
    %mul3A_13 = arith.muli %scan3A_11, %mul3A_12 : i32
    %get3A = arith.index_cast %mul3A_13 : i32 to index
    %get3A_14 = tpu.vector_load %arg5[%get3A] {strides = array<i32>} : memref<10000xi32, #tpu.memory_space<vmem>>, vector<16xi32>,
    %get3A_15 = arith.index_cast %mul3A_13 : i32 to index
    %get3A_16 = tpu.vector_load %arg6[%get3A_15] {strides = array<i32>} : memref<10000xi32, #tpu.memory_space<vmem>>, vector<16xi32>,
    %add3A_17 = arith.addi %get3A_14, %get3A_16 : vector<16xi32>
    %swap3A = arith.index_cast %mul3A_13 : i32 to index
    %swap3A_18 = tpu.vector_load %arg5[%swap3A] {strides = array<i32>} : memref<10000xi32, #tpu.memory_space<vmem>>, vector<16xi32>,
    tpu.vector_store %arg5[%swap3A], %add3A_17 {strides = array<i32>} : memref<10000xi32, #tpu.memory_space<vmem>>, vector<16xi32>,
    %scan3A_19 = arith.constant 0 : i32
    %scan3A_20 = arith.constant 625 : i32
    %dma_start3A = arith.constant 0 : i32
    %dma_start3A_21 = tpu.memref_slice %arg5[%dma_start3A] : memref<10000xi32, #tpu.memory_space<vmem>> -> memref<400xi32, #tpu.memory_space<vmem>>
    %dma_start3A_22 = arith.constant 0 : i32
    %dma_start3A_23 = arith.constant 0 : i32
    %dma_start3A_24 = tpu.memref_slice %arg2[%dma_start3A_22, %dma_start3A_23] : memref<160000x128xf32, #tpu.memory_space<hbm>> -> memref<160000x128xf32, #tpu.memory_space<hbm>>
    tpu.enqueue_indirect_dma source(%dma_start3A_24 : memref<160000x128xf32, #tpu.memory_space<hbm>>) target(%arg7 : memref<400x128xf32, #tpu.memory_space<vmem>>) offsets(%dma_start3A_21 : memref<400xi32, #tpu.memory_space<vmem>>) semaphore(%arg10 : memref<!tpu.dma_semaphore, #tpu.memory_space<semaphore_mem>>)
    %scan3A_25 = arith.constant 0 : i32
    %scan3A_26 = arith.constant 0 : i32
    %scan3A_27 = arith.constant 13 : i32
    %scan3A_28 = arith.addi %scan3A_26, %scan3A_27 : i32
    %scan3A_29 = arith.constant 1 : i32
    %scan3A_30 = scf.for %scan3A_32 = %scan3A_26 to %scan3A_28 step %scan3A_29 iter_args(%scan3A_33 = %scan3A_25) -> (i32)  : i32 {
      %mul3A_34 = arith.constant 2 : i32
      %mul3A_35 = arith.muli %scan3A_32, %mul3A_34 : i32
      %dma_wait3A = arith.constant 0 : i32
      %dma_wait3A_36 = tpu.memref_slice %arg5[%dma_wait3A] : memref<10000xi32, #tpu.memory_space<vmem>> -> memref<400xi32, #tpu.memory_space<vmem>>
      %dma_wait3A_37 = arith.constant 0 : i32
      %dma_wait3A_38 = arith.constant 0 : i32
      %dma_wait3A_39 = tpu.memref_slice %arg2[%dma_wait3A_37, %dma_wait3A_38] : memref<160000x128xf32, #tpu.memory_space<hbm>> -> memref<160000x128xf32, #tpu.memory_space<hbm>>
      tpu.wait_indirect_dma semaphore(%arg10 : memref<!tpu.dma_semaphore, #tpu.memory_space<semaphore_mem>>) src(%dma_wait3A_39 : memref<160000x128xf32, #tpu.memory_space<hbm>>) dst(%arg7 : memref<400x128xf32, #tpu.memory_space<vmem>>)
      %add3A_40 = arith.constant 1 : i32
      %add3A_41 = arith.addi %mul3A_35, %add3A_40 : i32
      %lt3A = arith.constant 25 : i32
      %lt3A_42 = arith.cmpi slt, %add3A_41, %lt3A : i32
      %convert_element_type3A = arith.extui %lt3A_42 : i1 to i32
      %cond3A = arith.constant 0 : i32
      %cond3A_43 = arith.cmpi ne, %convert_element_type3A, %cond3A : i32
      scf.if %cond3A_43 {
        %add3A_64 = arith.constant 1 : i32
        %add3A_65 = arith.addi %mul3A_35, %add3A_64 : i32
        %mul3A_66 = arith.constant 400 : i32
        %mul3A_67 = arith.muli %add3A_65, %mul3A_66 : i32
        %dma_start3A_68 = tpu.memref_slice %arg5[%mul3A_67] : memref<10000xi32, #tpu.memory_space<vmem>> -> memref<400xi32, #tpu.memory_space<vmem>>
        %dma_start3A_69 = arith.constant 0 : i32
        %dma_start3A_70 = arith.constant 0 : i32
        %dma_start3A_71 = tpu.memref_slice %arg2[%dma_start3A_69, %dma_start3A_70] : memref<160000x128xf32, #tpu.memory_space<hbm>> -> memref<160000x128xf32, #tpu.memory_space<hbm>>
        tpu.enqueue_indirect_dma source(%dma_start3A_71 : memref<160000x128xf32, #tpu.memory_space<hbm>>) target(%arg8 : memref<400x128xf32, #tpu.memory_space<vmem>>) offsets(%dma_start3A_68 : memref<400xi32, #tpu.memory_space<vmem>>) semaphore(%arg11 : memref<!tpu.dma_semaphore, #tpu.memory_space<semaphore_mem>>)
      } else {
      }
      %scan3A_44 = arith.constant 0 : i32
      %scan3A_45 = arith.constant 0 : i32
      %scan3A_46 = arith.constant 400 : i32
      %scan3A_47 = arith.addi %scan3A_45, %scan3A_46 : i32
      %scan3A_48 = arith.constant 8 : i32
      %scan3A_49 = scf.for %scan3A_64 = %scan3A_45 to %scan3A_47 step %scan3A_48 iter_args(%scan3A_65 = %scan3A_44) -> (i32)  : i32 {
        %get3A_66 = arith.index_cast %scan3A_64 : i32 to index
        %get3A_67 = arith.constant 0 : index
        %get3A_68 = tpu.vector_load %arg7[%get3A_66, %get3A_67] {strides = array<i32>} : memref<400x128xf32, #tpu.memory_space<vmem>>, vector<16xf32>,
        %mul3A_69 = arith.constant 16 : i32
        %mul3A_70 = arith.muli %scan3A_64, %mul3A_69 : i32
        %swap3A_71 = arith.index_cast %mul3A_70 : i32 to index
        %swap3A_72 = tpu.vector_load %arg9[%swap3A_71] {strides = array<i32>} : memref<6400xf32, #tpu.memory_space<vmem>>, vector<16xf32>,
        tpu.vector_store %arg9[%swap3A_71], %get3A_68 {strides = array<i32>} : memref<6400xf32, #tpu.memory_space<vmem>>, vector<16xf32>,
        %scan3A_73 = arith.constant 0 : i32
        %scan3A_74 = arith.constant 1 : i32
        %scan3A_75 = arith.addi %scan3A_64, %scan3A_74 : i32
        %get3A_76 = arith.index_cast %scan3A_75 : i32 to index
        %get3A_77 = arith.constant 0 : index
        %get3A_78 = tpu.vector_load %arg7[%get3A_76, %get3A_77] {strides = array<i32>} : memref<400x128xf32, #tpu.memory_space<vmem>>, vector<16xf32>,
        %mul3A_79 = arith.constant 16 : i32
        %mul3A_80 = arith.muli %scan3A_75, %mul3A_79 : i32
        %swap3A_81 = arith.index_cast %mul3A_80 : i32 to index
        %swap3A_82 = tpu.vector_load %arg9[%swap3A_81] {strides = array<i32>} : memref<6400xf32, #tpu.memory_space<vmem>>, vector<16xf32>,
        tpu.vector_store %arg9[%swap3A_81], %get3A_78 {strides = array<i32>} : memref<6400xf32, #tpu.memory_space<vmem>>, vector<16xf32>,
        %scan3A_83 = arith.constant 0 : i32
        %scan3A_84 = arith.constant 2 : i32
        %scan3A_85 = arith.addi %scan3A_64, %scan3A_84 : i32
        %get3A_86 = arith.index_cast %scan3A_85 : i32 to index
        %get3A_87 = arith.constant 0 : index
        %get3A_88 = tpu.vector_load %arg7[%get3A_86, %get3A_87] {strides = array<i32>} : memref<400x128xf32, #tpu.memory_space<vmem>>, vector<16xf32>,
        %mul3A_89 = arith.constant 16 : i32
        %mul3A_90 = arith.muli %scan3A_85, %mul3A_89 : i32
        %swap3A_91 = arith.index_cast %mul3A_90 : i32 to index
        %swap3A_92 = tpu.vector_load %arg9[%swap3A_91] {strides = array<i32>} : memref<6400xf32, #tpu.memory_space<vmem>>, vector<16xf32>,
        tpu.vector_store %arg9[%swap3A_91], %get3A_88 {strides = array<i32>} : memref<6400xf32, #tpu.memory_space<vmem>>, vector<16xf32>,
        %scan3A_93 = arith.constant 0 : i32
        %scan3A_94 = arith.constant 3 : i32
        %scan3A_95 = arith.addi %scan3A_64, %scan3A_94 : i32
        %get3A_96 = arith.index_cast %scan3A_95 : i32 to index
        %get3A_97 = arith.constant 0 : index
        %get3A_98 = tpu.vector_load %arg7[%get3A_96, %get3A_97] {strides = array<i32>} : memref<400x128xf32, #tpu.memory_space<vmem>>, vector<16xf32>,
        %mul3A_99 = arith.constant 16 : i32
        %mul3A_100 = arith.muli %scan3A_95, %mul3A_99 : i32
        %swap3A_101 = arith.index_cast %mul3A_100 : i32 to index
        %swap3A_102 = tpu.vector_load %arg9[%swap3A_101] {strides = array<i32>} : memref<6400xf32, #tpu.memory_space<vmem>>, vector<16xf32>,
        tpu.vector_store %arg9[%swap3A_101], %get3A_98 {strides = array<i32>} : memref<6400xf32, #tpu.memory_space<vmem>>, vector<16xf32>,
        %scan3A_103 = arith.constant 0 : i32
        %scan3A_104 = arith.constant 4 : i32
        %scan3A_105 = arith.addi %scan3A_64, %scan3A_104 : i32
        %get3A_106 = arith.index_cast %scan3A_105 : i32 to index
        %get3A_107 = arith.constant 0 : index
        %get3A_108 = tpu.vector_load %arg7[%get3A_106, %get3A_107] {strides = array<i32>} : memref<400x128xf32, #tpu.memory_space<vmem>>, vector<16xf32>,
        %mul3A_109 = arith.constant 16 : i32
        %mul3A_110 = arith.muli %scan3A_105, %mul3A_109 : i32
        %swap3A_111 = arith.index_cast %mul3A_110 : i32 to index
        %swap3A_112 = tpu.vector_load %arg9[%swap3A_111] {strides = array<i32>} : memref<6400xf32, #tpu.memory_space<vmem>>, vector<16xf32>,
        tpu.vector_store %arg9[%swap3A_111], %get3A_108 {strides = array<i32>} : memref<6400xf32, #tpu.memory_space<vmem>>, vector<16xf32>,
        %scan3A_113 = arith.constant 0 : i32
        %scan3A_114 = arith.constant 5 : i32
        %scan3A_115 = arith.addi %scan3A_64, %scan3A_114 : i32
        %get3A_116 = arith.index_cast %scan3A_115 : i32 to index
        %get3A_117 = arith.constant 0 : index
        %get3A_118 = tpu.vector_load %arg7[%get3A_116, %get3A_117] {strides = array<i32>} : memref<400x128xf32, #tpu.memory_space<vmem>>, vector<16xf32>,
        %mul3A_119 = arith.constant 16 : i32
        %mul3A_120 = arith.muli %scan3A_115, %mul3A_119 : i32
        %swap3A_121 = arith.index_cast %mul3A_120 : i32 to index
        %swap3A_122 = tpu.vector_load %arg9[%swap3A_121] {strides = array<i32>} : memref<6400xf32, #tpu.memory_space<vmem>>, vector<16xf32>,
        tpu.vector_store %arg9[%swap3A_121], %get3A_118 {strides = array<i32>} : memref<6400xf32, #tpu.memory_space<vmem>>, vector<16xf32>,
        %scan3A_123 = arith.constant 0 : i32
        %scan3A_124 = arith.constant 6 : i32
        %scan3A_125 = arith.addi %scan3A_64, %scan3A_124 : i32
        %get3A_126 = arith.index_cast %scan3A_125 : i32 to index
        %get3A_127 = arith.constant 0 : index
        %get3A_128 = tpu.vector_load %arg7[%get3A_126, %get3A_127] {strides = array<i32>} : memref<400x128xf32, #tpu.memory_space<vmem>>, vector<16xf32>,
        %mul3A_129 = arith.constant 16 : i32
        %mul3A_130 = arith.muli %scan3A_125, %mul3A_129 : i32
        %swap3A_131 = arith.index_cast %mul3A_130 : i32 to index
        %swap3A_132 = tpu.vector_load %arg9[%swap3A_131] {strides = array<i32>} : memref<6400xf32, #tpu.memory_space<vmem>>, vector<16xf32>,
        tpu.vector_store %arg9[%swap3A_131], %get3A_128 {strides = array<i32>} : memref<6400xf32, #tpu.memory_space<vmem>>, vector<16xf32>,
        %scan3A_133 = arith.constant 0 : i32
        %scan3A_134 = arith.constant 7 : i32
        %scan3A_135 = arith.addi %scan3A_64, %scan3A_134 : i32
        %get3A_136 = arith.index_cast %scan3A_135 : i32 to index
        %get3A_137 = arith.constant 0 : index
        %get3A_138 = tpu.vector_load %arg7[%get3A_136, %get3A_137] {strides = array<i32>} : memref<400x128xf32, #tpu.memory_space<vmem>>, vector<16xf32>,
        %mul3A_139 = arith.constant 16 : i32
        %mul3A_140 = arith.muli %scan3A_135, %mul3A_139 : i32
        %swap3A_141 = arith.index_cast %mul3A_140 : i32 to index
        %swap3A_142 = tpu.vector_load %arg9[%swap3A_141] {strides = array<i32>} : memref<6400xf32, #tpu.memory_space<vmem>>, vector<16xf32>,
        tpu.vector_store %arg9[%swap3A_141], %get3A_138 {strides = array<i32>} : memref<6400xf32, #tpu.memory_space<vmem>>, vector<16xf32>,
        %scan3A_143 = arith.constant 0 : i32
        scf.yield %scan3A_143 : i32
      }
      %scan3A_50 = arith.constant 400 : i32
      %mul3A_51 = arith.constant 400 : i32
      %mul3A_52 = arith.muli %mul3A_35, %mul3A_51 : i32
      %add3A_53 = arith.addi %mul3A_2, %mul3A_52 : i32
      %mul3A_54 = arith.constant 16 : i32
      %mul3A_55 = arith.muli %add3A_53, %mul3A_54 : i32
      "tpu.region"() ({
        %run_scoped3A = tpu.sem_alloc : memref<!tpu.dma_semaphore, #tpu.memory_space<semaphore_mem>>
        %dma_start3A_64 = tpu.memref_slice %arg4[%mul3A_55] : memref<5120000xf32, #tpu.memory_space<hbm>> -> memref<6400xf32, #tpu.memory_space<hbm>>
        %dma_start3A_65 = tpu.memref_slice %arg4[%mul3A_55] : memref<5120000xf32, #tpu.memory_space<hbm>> -> memref<6400xf32, #tpu.memory_space<hbm>>
        tpu.enqueue_dma source(%arg9 : memref<6400xf32, #tpu.memory_space<vmem>>) target(%dma_start3A_65 : memref<6400xf32, #tpu.memory_space<hbm>>) target_semaphore(%run_scoped3A : memref<!tpu.dma_semaphore, #tpu.memory_space<semaphore_mem>>)
        %dma_wait3A_66 = tpu.memref_slice %arg4[%mul3A_55] : memref<5120000xf32, #tpu.memory_space<hbm>> -> memref<6400xf32, #tpu.memory_space<hbm>>
        %dma_wait3A_67 = tpu.memref_slice %arg4[%mul3A_55] : memref<5120000xf32, #tpu.memory_space<hbm>> -> memref<6400xf32, #tpu.memory_space<hbm>>
        tpu.wait_dma2 semaphore(%run_scoped3A : memref<!tpu.dma_semaphore, #tpu.memory_space<semaphore_mem>>) src(%arg9 : memref<6400xf32, #tpu.memory_space<vmem>>) dst(%dma_wait3A_67 : memref<6400xf32, #tpu.memory_space<hbm>>)
        tpu.yield
      }) : () -> ()
      %add3A_56 = arith.constant 1 : i32
      %add3A_57 = arith.addi %mul3A_35, %add3A_56 : i32
      %lt3A_58 = arith.constant 25 : i32
      %lt3A_59 = arith.cmpi slt, %add3A_57, %lt3A_58 : i32
      %convert_element_type3A_60 = arith.extui %lt3A_59 : i1 to i32
      %cond3A_61 = arith.constant 0 : i32
      %cond3A_62 = arith.cmpi ne, %convert_element_type3A_60, %cond3A_61 : i32
      scf.if %cond3A_62 {
        %dma_wait3A_64 = arith.constant 0 : i32
        %dma_wait3A_65 = tpu.memref_slice %arg5[%dma_wait3A_64] : memref<10000xi32, #tpu.memory_space<vmem>> -> memref<400xi32, #tpu.memory_space<vmem>>
        %dma_wait3A_66 = arith.constant 0 : i32
        %dma_wait3A_67 = arith.constant 0 : i32
        %dma_wait3A_68 = tpu.memref_slice %arg2[%dma_wait3A_66, %dma_wait3A_67] : memref<160000x128xf32, #tpu.memory_space<hbm>> -> memref<160000x128xf32, #tpu.memory_space<hbm>>
        tpu.wait_indirect_dma semaphore(%arg11 : memref<!tpu.dma_semaphore, #tpu.memory_space<semaphore_mem>>) src(%dma_wait3A_68 : memref<160000x128xf32, #tpu.memory_space<hbm>>) dst(%arg8 : memref<400x128xf32, #tpu.memory_space<vmem>>)
        %add3A_69 = arith.constant 2 : i32
        %add3A_70 = arith.addi %mul3A_35, %add3A_69 : i32
        %lt3A_71 = arith.constant 25 : i32
        %lt3A_72 = arith.cmpi slt, %add3A_70, %lt3A_71 : i32
        %convert_element_type3A_73 = arith.extui %lt3A_72 : i1 to i32
        %cond3A_74 = arith.constant 0 : i32
        %cond3A_75 = arith.cmpi ne, %convert_element_type3A_73, %cond3A_74 : i32
        scf.if %cond3A_75 {
          %add3A_90 = arith.constant 2 : i32
          %add3A_91 = arith.addi %mul3A_35, %add3A_90 : i32
          %mul3A_92 = arith.constant 400 : i32
          %mul3A_93 = arith.muli %add3A_91, %mul3A_92 : i32
          %dma_start3A_94 = tpu.memref_slice %arg5[%mul3A_93] : memref<10000xi32, #tpu.memory_space<vmem>> -> memref<400xi32, #tpu.memory_space<vmem>>
          %dma_start3A_95 = arith.constant 0 : i32
          %dma_start3A_96 = arith.constant 0 : i32
          %dma_start3A_97 = tpu.memref_slice %arg2[%dma_start3A_95, %dma_start3A_96] : memref<160000x128xf32, #tpu.memory_space<hbm>> -> memref<160000x128xf32, #tpu.memory_space<hbm>>
          tpu.enqueue_indirect_dma source(%dma_start3A_97 : memref<160000x128xf32, #tpu.memory_space<hbm>>) target(%arg7 : memref<400x128xf32, #tpu.memory_space<vmem>>) offsets(%dma_start3A_94 : memref<400xi32, #tpu.memory_space<vmem>>) semaphore(%arg10 : memref<!tpu.dma_semaphore, #tpu.memory_space<semaphore_mem>>)
        } else {
        }
        %add3A_76 = arith.constant 1 : i32
        %add3A_77 = arith.addi %mul3A_35, %add3A_76 : i32
        %scan3A_78 = arith.constant 0 : i32
        %scan3A_79 = arith.constant 0 : i32
        %scan3A_80 = arith.constant 400 : i32
        %scan3A_81 = arith.addi %scan3A_79, %scan3A_80 : i32
        %scan3A_82 = arith.constant 8 : i32
        %scan3A_83 = scf.for %scan3A_90 = %scan3A_79 to %scan3A_81 step %scan3A_82 iter_args(%scan3A_91 = %scan3A_78) -> (i32)  : i32 {
          %get3A_92 = arith.index_cast %scan3A_90 : i32 to index
          %get3A_93 = arith.constant 0 : index
          %get3A_94 = tpu.vector_load %arg8[%get3A_92, %get3A_93] {strides = array<i32>} : memref<400x128xf32, #tpu.memory_space<vmem>>, vector<16xf32>,
          %mul3A_95 = arith.constant 16 : i32
          %mul3A_96 = arith.muli %scan3A_90, %mul3A_95 : i32
          %swap3A_97 = arith.index_cast %mul3A_96 : i32 to index
          %swap3A_98 = tpu.vector_load %arg9[%swap3A_97] {strides = array<i32>} : memref<6400xf32, #tpu.memory_space<vmem>>, vector<16xf32>,
          tpu.vector_store %arg9[%swap3A_97], %get3A_94 {strides = array<i32>} : memref<6400xf32, #tpu.memory_space<vmem>>, vector<16xf32>,
          %scan3A_99 = arith.constant 0 : i32
          %scan3A_100 = arith.constant 1 : i32
          %scan3A_101 = arith.addi %scan3A_90, %scan3A_100 : i32
          %get3A_102 = arith.index_cast %scan3A_101 : i32 to index
          %get3A_103 = arith.constant 0 : index
          %get3A_104 = tpu.vector_load %arg8[%get3A_102, %get3A_103] {strides = array<i32>} : memref<400x128xf32, #tpu.memory_space<vmem>>, vector<16xf32>,
          %mul3A_105 = arith.constant 16 : i32
          %mul3A_106 = arith.muli %scan3A_101, %mul3A_105 : i32
          %swap3A_107 = arith.index_cast %mul3A_106 : i32 to index
          %swap3A_108 = tpu.vector_load %arg9[%swap3A_107] {strides = array<i32>} : memref<6400xf32, #tpu.memory_space<vmem>>, vector<16xf32>,
          tpu.vector_store %arg9[%swap3A_107], %get3A_104 {strides = array<i32>} : memref<6400xf32, #tpu.memory_space<vmem>>, vector<16xf32>,
          %scan3A_109 = arith.constant 0 : i32
          %scan3A_110 = arith.constant 2 : i32
          %scan3A_111 = arith.addi %scan3A_90, %scan3A_110 : i32
          %get3A_112 = arith.index_cast %scan3A_111 : i32 to index
          %get3A_113 = arith.constant 0 : index
          %get3A_114 = tpu.vector_load %arg8[%get3A_112, %get3A_113] {strides = array<i32>} : memref<400x128xf32, #tpu.memory_space<vmem>>, vector<16xf32>,
          %mul3A_115 = arith.constant 16 : i32
          %mul3A_116 = arith.muli %scan3A_111, %mul3A_115 : i32
          %swap3A_117 = arith.index_cast %mul3A_116 : i32 to index
          %swap3A_118 = tpu.vector_load %arg9[%swap3A_117] {strides = array<i32>} : memref<6400xf32, #tpu.memory_space<vmem>>, vector<16xf32>,
          tpu.vector_store %arg9[%swap3A_117], %get3A_114 {strides = array<i32>} : memref<6400xf32, #tpu.memory_space<vmem>>, vector<16xf32>,
          %scan3A_119 = arith.constant 0 : i32
          %scan3A_120 = arith.constant 3 : i32
          %scan3A_121 = arith.addi %scan3A_90, %scan3A_120 : i32
          %get3A_122 = arith.index_cast %scan3A_121 : i32 to index
          %get3A_123 = arith.constant 0 : index
          %get3A_124 = tpu.vector_load %arg8[%get3A_122, %get3A_123] {strides = array<i32>} : memref<400x128xf32, #tpu.memory_space<vmem>>, vector<16xf32>,
          %mul3A_125 = arith.constant 16 : i32
          %mul3A_126 = arith.muli %scan3A_121, %mul3A_125 : i32
          %swap3A_127 = arith.index_cast %mul3A_126 : i32 to index
          %swap3A_128 = tpu.vector_load %arg9[%swap3A_127] {strides = array<i32>} : memref<6400xf32, #tpu.memory_space<vmem>>, vector<16xf32>,
          tpu.vector_store %arg9[%swap3A_127], %get3A_124 {strides = array<i32>} : memref<6400xf32, #tpu.memory_space<vmem>>, vector<16xf32>,
          %scan3A_129 = arith.constant 0 : i32
          %scan3A_130 = arith.constant 4 : i32
          %scan3A_131 = arith.addi %scan3A_90, %scan3A_130 : i32
          %get3A_132 = arith.index_cast %scan3A_131 : i32 to index
          %get3A_133 = arith.constant 0 : index
          %get3A_134 = tpu.vector_load %arg8[%get3A_132, %get3A_133] {strides = array<i32>} : memref<400x128xf32, #tpu.memory_space<vmem>>, vector<16xf32>,
          %mul3A_135 = arith.constant 16 : i32
          %mul3A_136 = arith.muli %scan3A_131, %mul3A_135 : i32
          %swap3A_137 = arith.index_cast %mul3A_136 : i32 to index
          %swap3A_138 = tpu.vector_load %arg9[%swap3A_137] {strides = array<i32>} : memref<6400xf32, #tpu.memory_space<vmem>>, vector<16xf32>,
          tpu.vector_store %arg9[%swap3A_137], %get3A_134 {strides = array<i32>} : memref<6400xf32, #tpu.memory_space<vmem>>, vector<16xf32>,
          %scan3A_139 = arith.constant 0 : i32
          %scan3A_140 = arith.constant 5 : i32
          %scan3A_141 = arith.addi %scan3A_90, %scan3A_140 : i32
          %get3A_142 = arith.index_cast %scan3A_141 : i32 to index
          %get3A_143 = arith.constant 0 : index
          %get3A_144 = tpu.vector_load %arg8[%get3A_142, %get3A_143] {strides = array<i32>} : memref<400x128xf32, #tpu.memory_space<vmem>>, vector<16xf32>,
          %mul3A_145 = arith.constant 16 : i32
          %mul3A_146 = arith.muli %scan3A_141, %mul3A_145 : i32
          %swap3A_147 = arith.index_cast %mul3A_146 : i32 to index
          %swap3A_148 = tpu.vector_load %arg9[%swap3A_147] {strides = array<i32>} : memref<6400xf32, #tpu.memory_space<vmem>>, vector<16xf32>,
          tpu.vector_store %arg9[%swap3A_147], %get3A_144 {strides = array<i32>} : memref<6400xf32, #tpu.memory_space<vmem>>, vector<16xf32>,
          %scan3A_149 = arith.constant 0 : i32
          %scan3A_150 = arith.constant 6 : i32
          %scan3A_151 = arith.addi %scan3A_90, %scan3A_150 : i32
          %get3A_152 = arith.index_cast %scan3A_151 : i32 to index
          %get3A_153 = arith.constant 0 : index
          %get3A_154 = tpu.vector_load %arg8[%get3A_152, %get3A_153] {strides = array<i32>} : memref<400x128xf32, #tpu.memory_space<vmem>>, vector<16xf32>,
          %mul3A_155 = arith.constant 16 : i32
          %mul3A_156 = arith.muli %scan3A_151, %mul3A_155 : i32
          %swap3A_157 = arith.index_cast %mul3A_156 : i32 to index
          %swap3A_158 = tpu.vector_load %arg9[%swap3A_157] {strides = array<i32>} : memref<6400xf32, #tpu.memory_space<vmem>>, vector<16xf32>,
          tpu.vector_store %arg9[%swap3A_157], %get3A_154 {strides = array<i32>} : memref<6400xf32, #tpu.memory_space<vmem>>, vector<16xf32>,
          %scan3A_159 = arith.constant 0 : i32
          %scan3A_160 = arith.constant 7 : i32
          %scan3A_161 = arith.addi %scan3A_90, %scan3A_160 : i32
          %get3A_162 = arith.index_cast %scan3A_161 : i32 to index
          %get3A_163 = arith.constant 0 : index
          %get3A_164 = tpu.vector_load %arg8[%get3A_162, %get3A_163] {strides = array<i32>} : memref<400x128xf32, #tpu.memory_space<vmem>>, vector<16xf32>,
          %mul3A_165 = arith.constant 16 : i32
          %mul3A_166 = arith.muli %scan3A_161, %mul3A_165 : i32
          %swap3A_167 = arith.index_cast %mul3A_166 : i32 to index
          %swap3A_168 = tpu.vector_load %arg9[%swap3A_167] {strides = array<i32>} : memref<6400xf32, #tpu.memory_space<vmem>>, vector<16xf32>,
          tpu.vector_store %arg9[%swap3A_167], %get3A_164 {strides = array<i32>} : memref<6400xf32, #tpu.memory_space<vmem>>, vector<16xf32>,
          %scan3A_169 = arith.constant 0 : i32
          scf.yield %scan3A_169 : i32
        }
        %scan3A_84 = arith.constant 400 : i32
        %mul3A_85 = arith.constant 400 : i32
        %mul3A_86 = arith.muli %add3A_77, %mul3A_85 : i32
        %add3A_87 = arith.addi %mul3A_2, %mul3A_86 : i32
        %mul3A_88 = arith.constant 16 : i32
        %mul3A_89 = arith.muli %add3A_87, %mul3A_88 : i32
        "tpu.region"() ({
          %run_scoped3A = tpu.sem_alloc : memref<!tpu.dma_semaphore, #tpu.memory_space<semaphore_mem>>
          %dma_start3A_90 = tpu.memref_slice %arg4[%mul3A_89] : memref<5120000xf32, #tpu.memory_space<hbm>> -> memref<6400xf32, #tpu.memory_space<hbm>>
          %dma_start3A_91 = tpu.memref_slice %arg4[%mul3A_89] : memref<5120000xf32, #tpu.memory_space<hbm>> -> memref<6400xf32, #tpu.memory_space<hbm>>
          tpu.enqueue_dma source(%arg9 : memref<6400xf32, #tpu.memory_space<vmem>>) target(%dma_start3A_91 : memref<6400xf32, #tpu.memory_space<hbm>>) target_semaphore(%run_scoped3A : memref<!tpu.dma_semaphore, #tpu.memory_space<semaphore_mem>>)
          %dma_wait3A_92 = tpu.memref_slice %arg4[%mul3A_89] : memref<5120000xf32, #tpu.memory_space<hbm>> -> memref<6400xf32, #tpu.memory_space<hbm>>
          %dma_wait3A_93 = tpu.memref_slice %arg4[%mul3A_89] : memref<5120000xf32, #tpu.memory_space<hbm>> -> memref<6400xf32, #tpu.memory_space<hbm>>
          tpu.wait_dma2 semaphore(%run_scoped3A : memref<!tpu.dma_semaphore, #tpu.memory_space<semaphore_mem>>) src(%arg9 : memref<6400xf32, #tpu.memory_space<vmem>>) dst(%dma_wait3A_93 : memref<6400xf32, #tpu.memory_space<hbm>>)
          tpu.yield
        }) : () -> ()
      } else {
      }
      %scan3A_63 = arith.constant 0 : i32
      scf.yield %scan3A_63 : i32
    }
    %scan3A_31 = arith.constant 13 : i32
    return
  }
}

module attributes {stable_mosaic.version = 14 : i64} {
  func.func @_k2a_body(%arg0: i32, %arg1: memref<1x80x128xi32, #tpu.memory_space<vmem>>, %arg2: memref<1x80x128xi32, #tpu.memory_space<vmem>>, %arg3: memref<80x128xf32, #tpu.memory_space<vmem>>, %arg4: memref<80x128xf32, #tpu.memory_space<vmem>>, %arg5: memref<80x128xf32, #tpu.memory_space<vmem>>, %arg6: memref<80x128xf32, #tpu.memory_space<vmem>>) attributes {dimension_semantics = [#tpu.dimension_semantics<arbitrary>], iteration_bounds = array<i64: 64>, scalar_prefetch = 0 : i64, scratch_operands = 3 : i64, tpu.core_type = #tpu.core_type<tc>, window_params = [{transform_indices = @transform_0, window_bounds = array<i64: 1, 80, 128>}, {transform_indices = @transform_1, window_bounds = array<i64: 1, 80, 128>}, {pipeline_mode = #tpu.pipeline_mode<synchronous>, transform_indices = @transform_2, window_bounds = array<i64: 80, 128>}]} {
    %eq3A = arith.constant 0 : i32
    %eq3A_0 = arith.cmpi eq, %arg0, %eq3A : i32
    %convert_element_type3A = arith.extui %eq3A_0 : i1 to i32
    %cond3A = arith.constant 0 : i32
    %cond3A_1 = arith.cmpi ne, %convert_element_type3A, %cond3A : i32
    scf.if %cond3A_1 {
      %broadcast_in_dim3A = arith.constant 0.000000e+00 : f32
      %broadcast_in_dim3A_20 = vector.broadcast %broadcast_in_dim3A : f32 to vector<80x128xf32>
      %swap3A_21 = arith.constant 0 : index
      %swap3A_22 = arith.constant 0 : index
      %swap3A_23 = vector.load %arg4[%swap3A_21, %swap3A_22] : memref<80x128xf32, #tpu.memory_space<vmem>>, vector<80x128xf32>
      tpu.vector_store %arg4[%swap3A_21, %swap3A_22], %broadcast_in_dim3A_20 {strides = array<i32>} : memref<80x128xf32, #tpu.memory_space<vmem>>, vector<80x128xf32>,
      %broadcast_in_dim3A_24 = arith.constant 0.000000e+00 : f32
      %broadcast_in_dim3A_25 = vector.broadcast %broadcast_in_dim3A_24 : f32 to vector<80x128xf32>
      %swap3A_26 = arith.constant 0 : index
      %swap3A_27 = arith.constant 0 : index
      %swap3A_28 = vector.load %arg5[%swap3A_26, %swap3A_27] : memref<80x128xf32, #tpu.memory_space<vmem>>, vector<80x128xf32>
      tpu.vector_store %arg5[%swap3A_26, %swap3A_27], %broadcast_in_dim3A_25 {strides = array<i32>} : memref<80x128xf32, #tpu.memory_space<vmem>>, vector<80x128xf32>,
      %broadcast_in_dim3A_29 = arith.constant 0.000000e+00 : f32
      %broadcast_in_dim3A_30 = vector.broadcast %broadcast_in_dim3A_29 : f32 to vector<80x128xf32>
      %swap3A_31 = arith.constant 0 : index
      %swap3A_32 = arith.constant 0 : index
      %swap3A_33 = vector.load %arg6[%swap3A_31, %swap3A_32] : memref<80x128xf32, #tpu.memory_space<vmem>>, vector<80x128xf32>
      tpu.vector_store %arg6[%swap3A_31, %swap3A_32], %broadcast_in_dim3A_30 {strides = array<i32>} : memref<80x128xf32, #tpu.memory_space<vmem>>, vector<80x128xf32>,
    } else {
    }
    %get3A = arith.constant 0 : index
    %get3A_2 = arith.constant 0 : index
    %get3A_3 = arith.constant 0 : index
    %get3A_4 = vector.load %arg1[%get3A, %get3A_2, %get3A_3] : memref<1x80x128xi32, #tpu.memory_space<vmem>>, vector<1x80x128xi32>
    %get3A_5 = vector.shape_cast %get3A_4 : vector<1x80x128xi32> to vector<80x128xi32>
    %convert_element_type3A_6 = arith.sitofp %get3A_5 : vector<80x128xi32> to vector<80x128xf32>
    %lt3A = arith.constant 32 : i32
    %lt3A_7 = arith.cmpi slt, %arg0, %lt3A : i32
    %convert_element_type3A_8 = arith.extui %lt3A_7 : i1 to i32
    %cond3A_9 = arith.constant 0 : i32
    %cond3A_10 = arith.cmpi ne, %convert_element_type3A_8, %cond3A_9 : i32
    scf.if %cond3A_10 {
      %broadcast_in_dim3A = arith.constant 0 : i32
      %broadcast_in_dim3A_20 = vector.broadcast %broadcast_in_dim3A : i32 to vector<80x128xi32>
      %swap3A_21 = arith.constant 0 : index
      %swap3A_22 = arith.constant 0 : index
      %swap3A_23 = arith.constant 0 : index
      %swap3A_24 = vector.load %arg2[%swap3A_21, %swap3A_22, %swap3A_23] : memref<1x80x128xi32, #tpu.memory_space<vmem>>, vector<1x80x128xi32>
      %swap3A_25 = vector.shape_cast %swap3A_24 : vector<1x80x128xi32> to vector<80x128xi32>
      %swap3A_26 = vector.shape_cast %broadcast_in_dim3A_20 : vector<80x128xi32> to vector<1x80x128xi32>
      tpu.vector_store %arg2[%swap3A_21, %swap3A_22, %swap3A_23], %swap3A_26 {strides = array<i32>} : memref<1x80x128xi32, #tpu.memory_space<vmem>>, vector<1x80x128xi32>,
      %get3A_27 = arith.constant 0 : index
      %get3A_28 = arith.constant 0 : index
      %get3A_29 = vector.load %arg4[%get3A_27, %get3A_28] : memref<80x128xf32, #tpu.memory_space<vmem>>, vector<80x128xf32>
      %add3A = arith.addf %get3A_29, %convert_element_type3A_6 : vector<80x128xf32>
      %swap3A_30 = arith.constant 0 : index
      %swap3A_31 = arith.constant 0 : index
      %swap3A_32 = vector.load %arg4[%swap3A_30, %swap3A_31] : memref<80x128xf32, #tpu.memory_space<vmem>>, vector<80x128xf32>
      tpu.vector_store %arg4[%swap3A_30, %swap3A_31], %add3A {strides = array<i32>} : memref<80x128xf32, #tpu.memory_space<vmem>>, vector<80x128xf32>,
      %eq3A_33 = arith.constant 31 : i32
      %eq3A_34 = arith.cmpi eq, %arg0, %eq3A_33 : i32
      %convert_element_type3A_35 = arith.extui %eq3A_34 : i1 to i32
      %cond3A_36 = arith.constant 0 : i32
      %cond3A_37 = arith.cmpi ne, %convert_element_type3A_35, %cond3A_36 : i32
      scf.if %cond3A_37 {
        %get3A_38 = arith.constant 0 : index
        %get3A_39 = arith.constant 0 : index
        %get3A_40 = vector.load %arg4[%get3A_38, %get3A_39] : memref<80x128xf32, #tpu.memory_space<vmem>>, vector<80x128xf32>
        %iota3A = tpu.iota {dimensions = array<i32: 0>} : vector<128x128xi32>
        %iota3A_41 = tpu.iota {dimensions = array<i32: 1>} : vector<128x128xi32>
        %le3A = arith.cmpi sle, %iota3A, %iota3A_41 : vector<128x128xi32>
        %convert_element_type3A_42 = arith.extui %le3A : vector<128x128xi1> to vector<128x128xi32>
        %convert_element_type3A_43 = arith.sitofp %convert_element_type3A_42 : vector<128x128xi32> to vector<128x128xf32>
        %dot_general3A = arith.constant dense<0.000000e+00> : vector<80x128xf32>
        %dot_general3A_44 = tpu.matmul %get3A_40, %convert_element_type3A_43, %dot_general3A {dimension_numbers = #tpu.dot_dimension_numbers<[1], [0], [0], [1], [0, 0, 1, 1], [], []>, precision = #tpu.contract_precision<fp32>, transpose_lhs_hint = false} : vector<80x128xf32>, vector<128x128xf32>, vector<80x128xf32> -> vector<80x128xf32>
        %reduce_sum3A = arith.constant dense<0.000000e+00> : vector<80xf32>
        %reduce_sum3A_45 = vector.multi_reduction <add>, %get3A_40, %reduce_sum3A [1] : vector<80x128xf32> to vector<80xf32>
        %broadcast_in_dim3A_46 = vector.shape_cast %reduce_sum3A_45 : vector<80xf32> to vector<80x1xf32>
        %iota3A_47 = tpu.iota {dimensions = array<i32: 0>} : vector<80x80xi32>
        %iota3A_48 = tpu.iota {dimensions = array<i32: 1>} : vector<80x80xi32>
        %gt3A = arith.cmpi sgt, %iota3A_47, %iota3A_48 : vector<80x80xi32>
        %convert_element_type3A_49 = arith.extui %gt3A : vector<80x80xi1> to vector<80x80xi32>
        %convert_element_type3A_50 = arith.sitofp %convert_element_type3A_49 : vector<80x80xi32> to vector<80x80xf32>
        %dot_general3A_51 = arith.constant dense<0.000000e+00> : vector<80x1xf32>
        %dot_general3A_52 = tpu.matmul %convert_element_type3A_50, %broadcast_in_dim3A_46, %dot_general3A_51 {dimension_numbers = #tpu.dot_dimension_numbers<[1], [0], [0], [1], [0, 0, 1, 1], [], []>, precision = #tpu.contract_precision<fp32>, transpose_lhs_hint = false} : vector<80x80xf32>, vector<80x1xf32>, vector<80x1xf32> -> vector<80x1xf32>
        %sub3A = arith.subf %dot_general3A_44, %get3A_40 : vector<80x128xf32>
        %add3A_53 = vector.broadcast %dot_general3A_52 : vector<80x1xf32> to vector<80x128xf32>
        %add3A_54 = arith.addf %sub3A, %add3A_53 : vector<80x128xf32>
        %swap3A_55 = arith.constant 0 : index
        %swap3A_56 = arith.constant 0 : index
        %swap3A_57 = vector.load %arg5[%swap3A_55, %swap3A_56] : memref<80x128xf32, #tpu.memory_space<vmem>>, vector<80x128xf32>
        tpu.vector_store %arg5[%swap3A_55, %swap3A_56], %add3A_54 {strides = array<i32>} : memref<80x128xf32, #tpu.memory_space<vmem>>, vector<80x128xf32>,
        %mul3A = arith.mulf %get3A_40, %get3A_40 : vector<80x128xf32>
        %max3A = arith.constant 1.000000e+00 : f32
        %max3A_58 = vector.broadcast %max3A : f32 to vector<80x128xf32>
        %max3A_59 = arith.maximumf %mul3A, %max3A_58 : vector<80x128xf32>
        %swap3A_60 = arith.constant 0 : index
        %swap3A_61 = arith.constant 0 : index
        %swap3A_62 = vector.load %arg6[%swap3A_60, %swap3A_61] : memref<80x128xf32, #tpu.memory_space<vmem>>, vector<80x128xf32>
        tpu.vector_store %arg6[%swap3A_60, %swap3A_61], %max3A_59 {strides = array<i32>} : memref<80x128xf32, #tpu.memory_space<vmem>>, vector<80x128xf32>,
        %broadcast_in_dim3A_63 = arith.constant 0.000000e+00 : f32
        %broadcast_in_dim3A_64 = vector.broadcast %broadcast_in_dim3A_63 : f32 to vector<80x128xf32>
        %swap3A_65 = arith.constant 0 : index
        %swap3A_66 = arith.constant 0 : index
        %swap3A_67 = vector.load %arg4[%swap3A_65, %swap3A_66] : memref<80x128xf32, #tpu.memory_space<vmem>>, vector<80x128xf32>
        tpu.vector_store %arg4[%swap3A_65, %swap3A_66], %broadcast_in_dim3A_64 {strides = array<i32>} : memref<80x128xf32, #tpu.memory_space<vmem>>, vector<80x128xf32>,
      } else {
      }
    } else {
    }
    %ge3A = arith.constant 32 : i32
    %ge3A_11 = arith.cmpi sge, %arg0, %ge3A : i32
    %convert_element_type3A_12 = arith.extui %ge3A_11 : i1 to i32
    %cond3A_13 = arith.constant 0 : i32
    %cond3A_14 = arith.cmpi ne, %convert_element_type3A_12, %cond3A_13 : i32
    scf.if %cond3A_14 {
      %get3A_20 = arith.constant 0 : index
      %get3A_21 = arith.constant 0 : index
      %get3A_22 = vector.load %arg5[%get3A_20, %get3A_21] : memref<80x128xf32, #tpu.memory_space<vmem>>, vector<80x128xf32>
      %get3A_23 = arith.constant 0 : index
      %get3A_24 = arith.constant 0 : index
      %get3A_25 = vector.load %arg4[%get3A_23, %get3A_24] : memref<80x128xf32, #tpu.memory_space<vmem>>, vector<80x128xf32>
      %add3A = arith.addf %get3A_22, %get3A_25 : vector<80x128xf32>
      %convert_element_type3A_26 = arith.fptosi %add3A : vector<80x128xf32> to vector<80x128xi32>
      %swap3A_27 = arith.constant 0 : index
      %swap3A_28 = arith.constant 0 : index
      %swap3A_29 = arith.constant 0 : index
      %swap3A_30 = vector.load %arg2[%swap3A_27, %swap3A_28, %swap3A_29] : memref<1x80x128xi32, #tpu.memory_space<vmem>>, vector<1x80x128xi32>
      %swap3A_31 = vector.shape_cast %swap3A_30 : vector<1x80x128xi32> to vector<80x128xi32>
      %swap3A_32 = vector.shape_cast %convert_element_type3A_26 : vector<80x128xi32> to vector<1x80x128xi32>
      tpu.vector_store %arg2[%swap3A_27, %swap3A_28, %swap3A_29], %swap3A_32 {strides = array<i32>} : memref<1x80x128xi32, #tpu.memory_space<vmem>>, vector<1x80x128xi32>,
      %get3A_33 = arith.constant 0 : index
      %get3A_34 = arith.constant 0 : index
      %get3A_35 = vector.load %arg4[%get3A_33, %get3A_34] : memref<80x128xf32, #tpu.memory_space<vmem>>, vector<80x128xf32>
      %add3A_36 = arith.addf %get3A_35, %convert_element_type3A_6 : vector<80x128xf32>
      %swap3A_37 = arith.constant 0 : index
      %swap3A_38 = arith.constant 0 : index
      %swap3A_39 = vector.load %arg4[%swap3A_37, %swap3A_38] : memref<80x128xf32, #tpu.memory_space<vmem>>, vector<80x128xf32>
      tpu.vector_store %arg4[%swap3A_37, %swap3A_38], %add3A_36 {strides = array<i32>} : memref<80x128xf32, #tpu.memory_space<vmem>>, vector<80x128xf32>,
    } else {
    }
    %get3A_15 = arith.constant 0 : index
    %get3A_16 = arith.constant 0 : index
    %get3A_17 = vector.load %arg6[%get3A_15, %get3A_16] : memref<80x128xf32, #tpu.memory_space<vmem>>, vector<80x128xf32>
    %swap3A = arith.constant 0 : index
    %swap3A_18 = arith.constant 0 : index
    %swap3A_19 = vector.load %arg3[%swap3A, %swap3A_18] : memref<80x128xf32, #tpu.memory_space<vmem>>, vector<80x128xf32>
    tpu.vector_store %arg3[%swap3A, %swap3A_18], %get3A_17 {strides = array<i32>} : memref<80x128xf32, #tpu.memory_space<vmem>>, vector<80x128xf32>,
    return
  }
  func.func @transform_0(%arg0: i32) -> (i32, i32, i32) {
    %jit3A = arith.constant 32 : i32
    %eq3A = arith.constant 0 : i32
    %eq3A_0 = arith.cmpi eq, %jit3A, %eq3A : i32
    %jit3A_1 = arith.constant 1 : i32
    %select_n3A = arith.select %eq3A_0, %jit3A_1, %jit3A : i32
    %rem3A = arith.remsi %arg0, %select_n3A : i32
    %ne3A = arith.constant 0 : i32
    %ne3A_2 = arith.cmpi ne, %rem3A, %ne3A : i32
    %lt3A = arith.constant 0 : i32
    %lt3A_3 = arith.cmpi slt, %rem3A, %lt3A : i32
    %lt3A_4 = arith.constant 0 : i32
    %lt3A_5 = arith.cmpi slt, %select_n3A, %lt3A_4 : i32
    %ne3A_6 = arith.xori %lt3A_3, %lt3A_5 : i1
    %and3A = arith.andi %ne3A_6, %ne3A_2 : i1
    %add3A = arith.addi %rem3A, %select_n3A : i32
    %select_n3A_7 = arith.select %and3A, %add3A, %rem3A : i32
    %c0_i32 = arith.constant 0 : i32
    %c0_i32_8 = arith.constant 0 : i32
    %c0_i32_9 = arith.constant 0 : i32
    return %select_n3A_7, %c0_i32, %c0_i32_8 : i32, i32, i32
  }
  func.func @transform_1(%arg0: i32) -> (i32, i32, i32) {
    %jit3A = arith.constant 32 : i32
    %eq3A = arith.constant 0 : i32
    %eq3A_0 = arith.cmpi eq, %jit3A, %eq3A : i32
    %jit3A_1 = arith.constant 1 : i32
    %select_n3A = arith.select %eq3A_0, %jit3A_1, %jit3A : i32
    %rem3A = arith.remsi %arg0, %select_n3A : i32
    %ne3A = arith.constant 0 : i32
    %ne3A_2 = arith.cmpi ne, %rem3A, %ne3A : i32
    %lt3A = arith.constant 0 : i32
    %lt3A_3 = arith.cmpi slt, %rem3A, %lt3A : i32
    %lt3A_4 = arith.constant 0 : i32
    %lt3A_5 = arith.cmpi slt, %select_n3A, %lt3A_4 : i32
    %ne3A_6 = arith.xori %lt3A_3, %lt3A_5 : i1
    %and3A = arith.andi %ne3A_6, %ne3A_2 : i1
    %add3A = arith.addi %rem3A, %select_n3A : i32
    %select_n3A_7 = arith.select %and3A, %add3A, %rem3A : i32
    %c0_i32 = arith.constant 0 : i32
    %c0_i32_8 = arith.constant 0 : i32
    %c0_i32_9 = arith.constant 0 : i32
    return %select_n3A_7, %c0_i32, %c0_i32_8 : i32, i32, i32
  }
  func.func @transform_2(%arg0: i32) -> (i32, i32) {
    %c0_i32 = arith.constant 0 : i32
    %c0_i32_0 = arith.constant 0 : i32
    %c0_i32_1 = arith.constant 0 : i32
    return %c0_i32, %c0_i32_0 : i32, i32
  }
}

module attributes {stable_mosaic.version = 14 : i64} {
  func.func @_k2c_body(%arg0: i32, %arg1: memref<256x128xf32, #tpu.memory_space<vmem>>, %arg2: memref<256x128xf32, #tpu.memory_space<vmem>>, %arg3: memref<1x128xf32, #tpu.memory_space<vmem>>) attributes {dimension_semantics = [#tpu.dimension_semantics<arbitrary>], iteration_bounds = array<i64: 40>, scalar_prefetch = 0 : i64, scratch_operands = 1 : i64, tpu.core_type = #tpu.core_type<tc>, window_params = [{transform_indices = @transform_0, window_bounds = array<i64: 256, 128>}, {transform_indices = @transform_1, window_bounds = array<i64: 256, 128>}]} {
    %eq3A = arith.constant 0 : i32
    %eq3A_0 = arith.cmpi eq, %arg0, %eq3A : i32
    %convert_element_type3A = arith.extui %eq3A_0 : i1 to i32
    %cond3A = arith.constant 0 : i32
    %cond3A_1 = arith.cmpi ne, %convert_element_type3A, %cond3A : i32
    scf.if %cond3A_1 {
      %broadcast_in_dim3A = arith.constant 0.000000e+00 : f32
      %broadcast_in_dim3A_17 = vector.broadcast %broadcast_in_dim3A : f32 to vector<1x128xf32>
      %swap3A_18 = arith.constant 0 : index
      %swap3A_19 = arith.constant 0 : index
      %swap3A_20 = vector.load %arg3[%swap3A_18, %swap3A_19] : memref<1x128xf32, #tpu.memory_space<vmem>>, vector<1x128xf32>
      tpu.vector_store %arg3[%swap3A_18, %swap3A_19], %broadcast_in_dim3A_17 {strides = array<i32>} : memref<1x128xf32, #tpu.memory_space<vmem>>, vector<1x128xf32>,
    } else {
    }
    %get3A = arith.constant 0 : index
    %get3A_2 = arith.constant 0 : index
    %get3A_3 = vector.load %arg1[%get3A, %get3A_2] : memref<256x128xf32, #tpu.memory_space<vmem>>, vector<256x128xf32>
    %iota3A = tpu.iota {dimensions = array<i32: 0>} : vector<256x256xi32>
    %iota3A_4 = tpu.iota {dimensions = array<i32: 1>} : vector<256x256xi32>
    %ge3A = arith.cmpi sge, %iota3A, %iota3A_4 : vector<256x256xi32>
    %convert_element_type3A_5 = arith.extui %ge3A : vector<256x256xi1> to vector<256x256xi32>
    %convert_element_type3A_6 = arith.sitofp %convert_element_type3A_5 : vector<256x256xi32> to vector<256x256xf32>
    %dot_general3A = arith.constant dense<0.000000e+00> : vector<256x128xf32>
    %dot_general3A_7 = tpu.matmul %convert_element_type3A_6, %get3A_3, %dot_general3A {dimension_numbers = #tpu.dot_dimension_numbers<[1], [0], [0], [1], [0, 0, 1, 1], [], []>, transpose_lhs_hint = false} : vector<256x256xf32>, vector<256x128xf32>, vector<256x128xf32> -> vector<256x128xf32>
    %get3A_8 = arith.constant 0 : index
    %get3A_9 = arith.constant 0 : index
    %get3A_10 = vector.load %arg3[%get3A_8, %get3A_9] : memref<1x128xf32, #tpu.memory_space<vmem>>, vector<1x128xf32>
    %add3A = vector.broadcast %get3A_10 : vector<1x128xf32> to vector<256x128xf32>
    %add3A_11 = arith.addf %dot_general3A_7, %add3A : vector<256x128xf32>
    %swap3A = arith.constant 0 : index
    %swap3A_12 = arith.constant 0 : index
    %swap3A_13 = vector.load %arg2[%swap3A, %swap3A_12] : memref<256x128xf32, #tpu.memory_space<vmem>>, vector<256x128xf32>
    tpu.vector_store %arg2[%swap3A, %swap3A_12], %add3A_11 {strides = array<i32>} : memref<256x128xf32, #tpu.memory_space<vmem>>, vector<256x128xf32>,
    %slice3A = vector.extract_strided_slice %add3A_11 {offsets = [255, 0], sizes = [1, 128], strides = [1, 1]} : vector<256x128xf32> to vector<1x128xf32>
    %swap3A_14 = arith.constant 0 : index
    %swap3A_15 = arith.constant 0 : index
    %swap3A_16 = vector.load %arg3[%swap3A_14, %swap3A_15] : memref<1x128xf32, #tpu.memory_space<vmem>>, vector<1x128xf32>
    tpu.vector_store %arg3[%swap3A_14, %swap3A_15], %slice3A {strides = array<i32>} : memref<1x128xf32, #tpu.memory_space<vmem>>, vector<1x128xf32>,
    return
  }
  func.func @transform_0(%arg0: i32) -> (i32, i32) {
    %c0_i32 = arith.constant 0 : i32
    %c0_i32_0 = arith.constant 0 : i32
    return %arg0, %c0_i32 : i32, i32
  }
  func.func @transform_1(%arg0: i32) -> (i32, i32) {
    %c0_i32 = arith.constant 0 : i32
    %c0_i32_0 = arith.constant 0 : i32
    return %arg0, %c0_i32 : i32, i32
  }
}

</mosaic_0001>

<sc_bundles>
// kernel: kernel.10.cloned.1.call-start
scs
__scs_entry_jumppad:
0x0: {  	(pc) =	sbr.rel $0x88, $3  }
0x1: {  	(tag) =	ssettag $0x0;
	lr =	simm.s32 $0x1  }
0x2: {  	[smem:$0x3F9E] =	sst lr;
	_ =	strace $0xD0000000  }
0x3: {  	_ = 	snop  }
0x4: {  	_ = 	snop  }
0x5: {  	_ = 	snop  }
0x6: {  	_ = 	snop  }
0x7: {  	_ = 	snop  }
__scs_overlays_trampoline_lowered:
0x8: {  	[smem:$0x3FAD] =	sst s0  }
0x9: {  	[smem:$0x3FAE] =	sst s1  }
0xa: {  	[smem:$0x3FAF] =	sst s2  }
0xb: {  	[smem:$0x3FB0] =	sst s3  }
0xc: {  	[smem:$0x3FB1] =	sst s4  }
0xd: {  	[smem:$0x3FB2] =	sst s5  }
0xe: {  	[smem:$0x3FB3] =	sst s6  }
0xf: {  	[smem:$0x3FB4] =	sst s7  }
0x10: {  	[smem:$0x3FB5] =	sst s8  }
0x11: {  	[smem:$0x3FB6] =	sst s9;
	s0 =	simm.s32 @!p0 $0x0  }
0x12: {  	s1 =	sld [smem:$0x3F9C];
	s0 =	simm.s32 @p0 $0x1  }
0x13: {  	[smem:$0x3FB7] =	sst s0;
	s0 =	simm.s32 @!p1 $0x0  }
0x14: {  	s2 =	sld [smem:$0x3F9B];
	s0 =	simm.s32 @p1 $0x1  }
0x15: {  	[smem:$0x3FB8] =	sst s0;
	s0 =	simm.s32 @!p2 $0x0  }
0x16: {  	s3 =	sld [smem:$0x3FDB];
	s0 =	simm.s32 @p2 $0x1  }
0x17: {  	s4 =	simm.s32 $0x1BF5;
	[smem:$0x3FBA] =	sst s0  }
0x18: {  	s0 =	sld [smem:$0x3F9D];
	_ =	swait.ge [sflag:s4], $0x0  }
0x19: {  	s7 =	sld [smem:$0x3F9E]  }
0x1a: {  	s8 =	sadd.s32 $0xFFFFE003, lr  }
0x1b: {  	s9 =	sadd.s32 $0xFFFFFEF7, lr;
	s5 =	simm.s32 $0xFFFFFFFF;
	p2 =	slt.u32 s8, $0xFFFFF086  }
0x1c: {  	p1 =	slt.u32 s9, $0xF7A;
	s5 =	simm.s32 @!p2 $0x0  }
0x1d: {  	s5 =	simm.s32 @p1 $0x1;
	p0 =	seq.s32 s7, s2  }
0x1e: {  	s7 =	smul.u32 @!p0 $0xF7A, s2;
	p2 =	seq.s32 @!p0 s5, $0x0  }
0x1f: {  	s9 =	smul.u32 $0xF7A, s1;
	s8 =	simm.s32 @!p0 $0x1BF5;
	p2 =	por !p2, p0  }
0x20: {  	[sflag:s8] =	ssyncset.s32 @!p0 $0xFFFFF086;
	s6 =	sadd.s32 @!p0 s3, s7;
	s7 =	simm.s32 @!p0 $0x108  }
0x21: {  	s3 =	sadd.s32 s3, s9;
	s6 =	sadd.s32 @!p0 $0x88, s6;
	s7 =	simm.s32 @p2 $0x1082  }
0x22: {  	[simem:s7], [sflag:s8] =	dma.local @!p0 [hbm:s6], $0xF7A  }
0x23: {  	s9 =	sor.u32 $0xD0000000, s2;
	s6 =	simm.s32 $0x108;
	_ =	swait.ge @!p0 [sflag:s8], $0x0  }
0x24: {  	s3 =	sadd.s32 $0x88, s3;
	s6 =	simm.s32 @!p1 $0x1082;
	[sflag:s4] =	ssyncset.s32 $0xFFFFF086  }
0x25: {  	[simem:s6], [sflag:s4] =	dma.local [hbm:s3], $0xF7A  }
0x26: {  	[smem:$0x3F9E] =	sst s1;
	(tag) =	ssettag s2;
	_ =	strace s9  }
0x27: {  	s1 =	sld [smem:$0x3FAE]  }
0x28: {  	s2 =	sld [smem:$0x3FAF]  }
0x29: {  	s4 =	sld [smem:$0x3FB1]  }
0x2a: {  	p0 =	seq.s32 s5, $0x0;
	s5 =	sld [smem:$0x3FB2]  }
0x2b: {  	s6 =	sld [smem:$0x3FB3]  }
0x2c: {  	s7 =	sld [smem:$0x3FB4]  }
0x2d: {  	s3 =	simm.s32 $0x108;
	s8 =	sld [smem:$0x3FB5]  }
0x2e: {  	s3 =	simm.s32 @!p0 $0x1082;
	s9 =	sld [smem:$0x3FB6]  }
0x2f: {  	lr =	sadd.s32 s0, s3;
	s0 =	sld [smem:$0x3FAD]  }
0x30: {  	s3 =	sld [smem:$0x3FB0]  }
0x31: {  	[smem:$0x3FB9] =	sst s10  }
0x32: {  	s10 =	sld [smem:$0x3FB7];
	_ =	sdelay $0x3  }
0x33: {  	p0 =	seq.s32 s10, $0x1;
	s10 =	sld [smem:$0x3FB9];
	_ =	sdelay $0x3  }
0x34: {  	[smem:$0x3FB9] =	sst s10  }
0x35: {  	s10 =	sld [smem:$0x3FB8];
	_ =	sdelay $0x3  }
0x36: {  	p1 =	seq.s32 s10, $0x1;
	s10 =	sld [smem:$0x3FB9];
	_ =	sdelay $0x3  }
0x37: {  	[smem:$0x3FB9] =	sst s10  }
0x38: {  	s10 =	sld [smem:$0x3FBA]  }
0x39: {  	_ = 	snop;
	(pc) =	sbr.ind lr, $3  }
0x3a: {  	_ = 	snop  }
0x3b: {  	_ = 	snop  }
0x3c: {  	p2 =	seq.s32 s10, $0x1;
	s10 =	sld [smem:$0x3FB9]  }
0x3d: {  	_ =	shalt  }
0x3e: {  	_ =	shalt  }
0x3f: {  	_ =	shalt  }
0x40: {  	_ =	shalt  }
0x41: {  	_ =	shalt  }
0x42: {  	_ =	shalt  }
0x43: {  	_ =	shalt  }
0x44: {  	_ =	shalt  }
0x45: {  	_ =	shalt  }
0x46: {  	_ =	shalt  }
0x47: {  	_ =	shalt  }
0x48: {  	_ =	shalt  }
0x49: {  	_ =	shalt  }
0x4a: {  	_ =	shalt  }
0x4b: {  	_ =	shalt  }
0x4c: {  	_ =	shalt  }
0x4d: {  	_ =	shalt  }
0x4e: {  	_ =	shalt  }
0x4f: {  	_ =	shalt  }
0x50: {  	_ =	shalt  }
0x51: {  	_ =	shalt  }
0x52: {  	_ =	shalt  }
0x53: {  	_ =	shalt  }
0x54: {  	_ =	shalt  }
0x55: {  	_ =	shalt  }
0x56: {  	_ =	shalt  }
0x57: {  	_ =	shalt  }
0x58: {  	_ =	shalt  }
0x59: {  	_ =	shalt  }
0x5a: {  	_ =	shalt  }
0x5b: {  	_ =	shalt  }
0x5c: {  	_ =	shalt  }
0x5d: {  	_ =	shalt  }
0x5e: {  	_ =	shalt  }
0x5f: {  	_ =	shalt  }
0x60: {  	_ =	shalt  }
0x61: {  	_ =	shalt  }
0x62: {  	_ =	shalt  }
0x63: {  	_ =	shalt  }
0x64: {  	_ =	shalt  }
0x65: {  	_ =	shalt  }
0x66: {  	_ =	shalt  }
0x67: {  	_ =	shalt  }
0x68: {  	_ =	shalt  }
0x69: {  	_ =	shalt  }
0x6a: {  	_ =	shalt  }
0x6b: {  	_ =	shalt  }
0x6c: {  	_ =	shalt  }
0x6d: {  	_ =	shalt  }
0x6e: {  	_ =	shalt  }
0x6f: {  	_ =	shalt  }
0x70: {  	_ =	shalt  }
0x71: {  	_ =	shalt  }
0x72: {  	_ =	shalt  }
0x73: {  	_ =	shalt  }
0x74: {  	_ =	shalt  }
0x75: {  	_ =	shalt  }
0x76: {  	_ =	shalt  }
0x77: {  	_ =	shalt  }
0x78: {  	_ =	shalt  }
0x79: {  	_ =	shalt  }
0x7a: {  	_ =	shalt  }
0x7b: {  	_ =	shalt  }
0x7c: {  	_ =	shalt  }
0x7d: {  	_ =	shalt  }
0x7e: {  	_ =	shalt  }
0x7f: {  	_ =	shalt  }
0x80: {  	_ =	shalt  }
0x81: {  	_ =	shalt  }
0x82: {  	_ =	shalt  }
0x83: {  	_ =	shalt  }
0x84: {  	_ =	shalt  }
0x85: {  	_ =	shalt  }
0x86: {  	_ =	shalt  }
0x87: {  	_ =	shalt  }
.Lfunc_end0:
.L_simem_size_0:
called_computation.1_lowered:
.L_overlay_start_0:
0x88: {  	s2 =	sld [smem:$0x3FD9]  }
0x89: {  	s3 =	sld [smem:$0x3FFE];
	_ =	sdelay $0x1  }
0x8a: {  	s1 =	srdreg.scid  }
0x8b: {  	s0 =	sand.u32 $0x1, s1  }
0x8c: {  	s14 =	sshll.u32 s0, $0xA;
	s2 =	sadd.s32 s3, s2  }
0x8d: {  	s2 =	sadd.s32 s2, s14  }
0x8e: {  	[smem:$0x3FC5] =	sst s2  }
0x8f: {  	_ = 	snop  }
0x90: {  	s2 =	sld [smem:$0x3FD0];
	_ =	sdelay $0x2  }
0x91: {  	s15 =	simm.s32 $0xA;
	s4 =	simm.s32 $0x10  }
0x92: {  	[smem:s4], [sflag:s15] =	dma.local [hbm:s2], $0x1  }
0x93: {  	_ =	swait.eq [sflag:s15], $0x1  }
0x94: {  	[sflag:s15] =	ssyncset.done $0x0  }
0x95: {  	s16 =	sld [smem:$0x10];
	[sflag:s15] =	ssyncadd.s32 $0xFFFFFFFF  }
0x96: {  	s17 =	sld [smem:$0x11];
	(tm) =	ssettm $0x1  }
0x97: {  	s18 =	sld [smem:$0x3FFB];
	_ =	sdelay $0x3  }
0x98: {  	_ =	strace s18  }
0x99: {  	s4 =	sld [smem:$0x3FFC];
	_ =	sdelay $0x3  }
0x9a: {  	_ =	strace s4  }
0x9b: {  	s4 =	sld [smem:$0x3FFD];
	_ =	sdelay $0x3  }
0x9c: {  	_ =	strace s4  }
0x9d: {  	_ =	strace $0x8FFFFFFF  }
0x9e: {  	s19 =	sld [smem:$0x3FDB];
	_ =	sdelay $0x1  }
0x9f: {  	s5 =	simm.s32 $_scs_section_size  }
0xa0: {  	s6 =	simm.s32 $_size__tile_overlayer_lowered;
	s7 =	simm.s32 $_tile_overlayer_lowered  }
0xa1: {  	s22 =	simm.s32 $0x1BFF;
	s21 =	sshll.u32 s7, $0x1;
	s4 =	sadd.s32 s5, s19  }
0xa2: {  	s8 =	simm.s32 $0x0;
	s20 =	sshll.u32 s6, $0x1;
	s6 =	sadd.s32 s21, s4  }
0xa3: {  	[timem:s8], [sflag:s22] =	dma.local [hbm:s6], s20  }
0xa4: {  	_ =	swait.ge [sflag:s22], s20  }
0xa5: {  	s5 =	ssub.s32 $0x0, s20;
	[sflag:s22] =	ssyncset.done $0x0  }
0xa6: {  	[sflag:s22] =	ssyncadd.s32 s5;
	_ =	sdelay $0x1  }
0xa7: {  	s23 =	simm.s32 $0x1B8B  }
0xa8: {  	_ =	swait.ge [sflag:s23], $0x1  }
0xa9: {  	[sflag:s23] =	ssyncset.done $0x0  }
0xaa: {  	s25 =	simm.s32 $0x1B8E;
	s24 =	sld [smem:$0x3FFE];
	[sflag:s23] =	ssyncadd.s32 $0xFFFFFFFF  }
0xab: {  	s26 =	simm.s32 $execute0_lowered;
	[smem:$0x3FD2] =	sst s25  }
0xac: {  	s6 =	sshll.u32 s26, $0x1;
	_ =	strace $0x80000049;
	[dreg:$0x1] =	wrdreg $0xFFFFFFFF  }
0xad: {  	s28 =	simm.s32 $_size_execute0_lowered;
	s4 =	sadd.s32 s4, s6;
	[dreg:$0x0] =	wrdreg $0x0  }
0xae: {  	s6 =	sshll.u32 s28, $0x1;
	[dreg:$0x2] =	wrdreg s4  }
0xaf: {  	[dreg:$0x3] =	wrdreg s6  }
0xb0: {  	[dreg:$0x4] =	wrdreg $0xC0  }
0xb1: {  	_ =	task [dreg:s8], $0x5FFFF  }
0xb2: {  	[dreg:$0x1] =	wrdreg $0xFFFFFFFF  }
0xb3: {  	[dreg:$0x0] =	wrdreg $0x60  }
0xb4: {  	[dreg:$0x2] =	wrdreg s17  }
0xb5: {  	[dreg:$0x3] =	wrdreg s16  }
0xb6: {  	[dreg:$0x4] =	wrdreg s24  }
0xb7: {  	[dreg:$0x5] =	wrdreg $0x115000  }
0xb8: {  	[dreg:$0x6] =	wrdreg $0x9  }
0xb9: {  	_ =	task.clear_ibuf [dreg:s8], $0x7FFFF;
	_ =	strace $0x90000049  }
0xba: {  	s29 =	simm.s32 $0x9;
	_ =	strace $0x8000004B  }
0xbb: {  	_ =	swait.ge [sflag:s29], $0x1  }
0xbc: {  	[sflag:s29] =	ssyncadd.s32 $0xFFFFFFFF  }
0xbd: {  	_ =	strace $0x9000004B  }
0xbe: {  	_ =	sfence  }
0xbf: {  	s30 =	sld [smem:$0x0];
	_ =	sdelay $0x2  }
0xc0: {  	s31 =	sshll.u32 s1, $0xD;
	s1 =	sshrl.u32 s1, $0x2  }
0xc1: {  	s3 =	sand.u32 $0x4000, s31;
	s1 =	sadd.s32 s1, s30  }
0xc2: {  	s0 =	sor.u32 s3, s0;
	s1 =	sshll.u32 s1, $0x11  }
0xc3: {  	s0 =	sor.u32 s1, s0  }
0xc4: {  	s0 =	sadd.s32 $0x8F2B, s0  }
0xc5: {  	[sflag:s0] =	ssyncadd.remote.s32 $0x1  }
0xc6: {  	_ =	sfence.sel $0xFFFF  }
0xc7: {  	[dreg:$0x0] =	wrdreg $0xFFFFFFFF;
	(pc) =	sbr.abs _section_cstart, $3  }
0xc8: {  	[dreg:$0x1] =	wrdreg $0xFFFFFFFF  }
0xc9: {  	_ =	task.clear_ibuf [dreg:s8], $0x2FFFF;
	_ =	strace $0x9FFFFFFF  }
0xca: {  	(tm) =	ssettm $0x7FFFFFFF  }
0xcb: {  	_ =	shalt  }
tec
execute0_lowered:
.L_overlay_start_1:
0x0: {  	(tag) =	ssettag $0x1  }
0x1: {  	s5 =	rddreg [dreg:$0x0]  }
0x2: {  	s7 =	rddreg [dreg:$0x1]  }
0x3: {  	s4 =	rddreg [dreg:$0x2];
	s1 =	srdreg.scid  }
0x4: {  	s0 =	stileid.u32;
	s2 =	rddreg [dreg:$0x3];
	s3 =	simm.s32 $0x0  }
0x5: {  	s14 =	simm.s32 $0x10100;
	s15 =	simm.s32 $0x2780;
	s16 =	simm.s32 $0x2710  }
0x6: {  	s17 =	simm.s32 $0x4F80;
	s6 =	sand.u32 $0x1, s1;
	s10 =	smul.u32 $0x4E20, s0  }
0x7: {  	s18 =	simm.s32 $0x7700;
	s9 =	sshll.u32 s0, $0x1;
	s8 =	smul.u32 $0x4E200, s6  }
0x8: {  	s1 =	rddreg [dreg:$0x4];
	s9 =	sor.u32 s6, s9;
	s30 =	smul.u32 $0x2710, s6  }
0x9: {  	s19 =	simm.s32 $0x0;
	[smem:$0x7FF] =	sst s3;
	s12 =	smul.u32 $0x1388, s9  }
0xa: {  	_ =	strace $0x8000004A;
	s11 =	ssub.s32 $0x2, s6;
	s13 =	smul.u32 $0x500, s9  }
0xb: {  	s29 =	sshrl.u32 s11, $0x1;
	s9 =	smul.u32 $0x2710, s9;
	s8 =	sadd.s32 s10, s8  }
0xc: {  	s11 =	ssub.s32 s11, s29;
	s8 =	sshrl.u32 s8, $0x3;
	s12 =	sshrl.u32 s12, $0x3  }
0xd: {  	v0 =	vlaneseq.u32;
	s7 =	sadd.s32 s7, s13;
	s31 =	sadd.s32 $0x2700, s9;
	s9 =	smax.u32 s11, $0x1  }
0xe: {  	v1 =	vmul.u32 $0x2, v0;
	s11 =	simm.s32 $0x9E80;
	s13 =	simm.s32 $0xED00;
	s8 =	sadd.s32 s8, s4  }
0xf: {  	v3 =	vimm.s32 $0x0;
	s4 =	sadd.s32 s10, s2;
	s5 =	sadd.s32 s5, s12;
	s10 =	sadd.s32 s30, s10;
	v2 =	vor.u32 s31, v0  }
0x10: {  	v4 =	vor.u32 $0x2700, v1;
	v5 =	vor.u32 $0x2701, v1;
	s12 =	simm.s32 $0x1;
	s6 =	sadd.s32 $0x4E20, s5;
	s8 =	sadd.s32 $0x3000, s8;
	v2 =	vshrl.u32 v2, $0x1  }
.LBB2_1:
0x11: {  	s20 =	simm.s32 $0x9EA0  }
0x12: {  	[tilespmem:s20+$0xFFFFFFE0] =	vst v3  }
0x13: {  	[tilespmem:s20+$0x10] =	vst v3  }
0x14: {  	s21 =	simm.s32 $0x0;
	[tilespmem:s20+$0x0] =	vst v3  }
.LBB2_2:
0x15: {  	s21 =	sadd.s32 $0x4, s21  }
0x16: {  	[tilespmem:s20+$0xFFFFFFF0] =	vst v3;
	s20 =	sadd.s32 $0x40, s20;
	p0 =	slt.u32 s21, $0x4DC  }
.Ltmp0:
0x17: {  	[tilespmem:s20+$0xFFFFFFE0] =	vst v3;
	(pc) =	sbr.rel @p0 .LBB2_2-.Ltmp0, $3  }
0x18: {  	_ =	sdelay $0x1  }
0x19: {  	[tilespmem:s20+$0x10] =	vst v3  }
0x1a: {  	[tilespmem:s20+$0x0] =	vst v3  }
0x1b: {  	[tilespmem:s20+$0xFFFFFFF0] =	vst v3  }
0x1c: {  	[tilespmem:$0xEC80] =	vst v3  }
0x1d: {  	[tilespmem:$0xEC90] =	vst v3  }
0x1e: {  	[spmem:s4] =	stream.linear.scatter [tilespmem:s11], [sflag:$0x1], $0x4E20, $0x38;
	[tilespmem:$0x16320] =	vst v63  }
0x1f: {  	_ =	swait.ge [sflag:s12], $0x4E20  }
0x20: {  	[sflag:s12] =	ssyncset.done $0x0  }
0x21: {  	s29 =	simm.s32 $0x0;
	[sflag:s12] =	ssyncadd.s32 $0xFFFFB1E0  }
0x22: {  	[tilespmem:s13], [sflag:$0x1] =	stream.linear.gather [hbm4b:s5+s29], $0x1390, $0x38;
	[tilespmem:$0x16320] =	vst v63  }
0x23: {  	_ =	swait.ge [sflag:s12], $0x1390  }
0x24: {  	[sflag:s12] =	ssyncset.done $0x0  }
0x25: {  	[sflag:s12] =	ssyncadd.s32 $0xFFFFEC70  }
0x26: {  	[tilespmem:s14], [sflag:$0x1] =	stream.linear.gather [hbm4b:s6+s29], $0x1390, $0x38;
	[tilespmem:$0x16320] =	vst v63  }
0x27: {  	_ =	swait.ge [sflag:s12], $0x1390  }
0x28: {  	v6 =	vmov s29;
	[sflag:s12] =	ssyncset.done $0x0  }
0x29: {  	s20 =	simm.s32 $0xED20;
	v6 =	vshll.u32 v6, $0x1;
	[sflag:s12] =	ssyncadd.s32 $0xFFFFEC70  }
0x2a: {  	v6 =	vor.u32 v1, v6;
	v7 =	vld [tilespmem:s20+$0xFFFFFFE0];
	_ =	sdelay $0x4  }
0x2b: {  	s21 =	simm.s32 $0x10120;
	[tilespmem:v6+s3+$0x0] =	vst.idx.msk $0xffff, v7  }
0x2c: {  	v6 =	vor.u32 $0x1, v6;
	v7 =	vld [tilespmem:s21+$0xFFFFFFE0];
	_ =	sdelay $0x2  }
0x2d: {  	s22 =	simm.s32 $0x10  }
0x2e: {  	v8 =	vmov s22  }
0x2f: {  	[tilespmem:v6+s3+$0x0] =	vst.idx.msk $0xffff, v7;
	v6 =	vshll.u32 v8, $0x1  }
0x30: {  	v6 =	vor.u32 v1, v6;
	v7 =	vld [tilespmem:s20+$0xFFFFFFF0];
	_ =	sdelay $0x4  }
0x31: {  	[tilespmem:v6+s3+$0x0] =	vst.idx.msk $0xffff, v7  }
0x32: {  	v6 =	vor.u32 $0x1, v6;
	v7 =	vld [tilespmem:s21+$0xFFFFFFF0];
	_ =	sdelay $0x2  }
0x33: {  	s30 =	simm.s32 $0x20  }
0x34: {  	v8 =	vmov s30  }
0x35: {  	[tilespmem:v6+s3+$0x0] =	vst.idx.msk $0xffff, v7;
	v6 =	vshll.u32 v8, $0x1  }
0x36: {  	v6 =	vor.u32 v1, v6;
	v7 =	vld [tilespmem:s20+$0x0];
	_ =	sdelay $0x4  }
0x37: {  	[tilespmem:v6+s3+$0x0] =	vst.idx.msk $0xffff, v7  }
0x38: {  	v6 =	vor.u32 $0x1, v6;
	v7 =	vld [tilespmem:s21+$0x0];
	_ =	sdelay $0x2  }
0x39: {  	s31 =	simm.s32 $0x30  }
0x3a: {  	v8 =	vmov s31  }
0x3b: {  	[tilespmem:v6+s3+$0x0] =	vst.idx.msk $0xffff, v7;
	v6 =	vshll.u32 v8, $0x1  }
0x3c: {  	v7 =	vor.u32 v1, v6;
	v6 =	vld [tilespmem:s20+$0x10];
	_ =	sdelay $0x4  }
0x3d: {  	[tilespmem:v7+s3+$0x0] =	vst.idx.msk $0xffff, v6  }
0x3e: {  	v7 =	vor.u32 $0x1, v7;
	v6 =	vld [tilespmem:s21+$0x10];
	_ =	sdelay $0x2  }
0x3f: {  	s23 =	simm.s32 $0x40;
	s22 =	simm.s32 $0x0  }
.LBB2_4:
0x40: {  	v8 =	vmov s23;
	s22 =	sadd.s32 $0x4, s22  }
0x41: {  	s20 =	sadd.s32 $0x40, s20;
	v8 =	vshll.u32 v8, $0x1;
	p0 =	slt.u32 s22, $0x134;
	[tilespmem:v7+s3+$0x0] =	vst.idx.msk $0xffff, v6  }
0x42: {  	v6 =	vor.u32 v1, v8;
	v7 =	vld [tilespmem:s20+$0xFFFFFFE0];
	_ =	sdelay $0x4  }
0x43: {  	s21 =	sadd.s32 $0x40, s21;
	[tilespmem:v6+s3+$0x0] =	vst.idx.msk $0xffff, v7  }
0x44: {  	v6 =	vor.u32 $0x1, v6;
	v7 =	vld [tilespmem:s21+$0xFFFFFFE0];
	_ =	sdelay $0x2  }
0x45: {  	s24 =	sadd.s32 $0x10, s23  }
0x46: {  	v8 =	vmov s24  }
0x47: {  	[tilespmem:v6+s3+$0x0] =	vst.idx.msk $0xffff, v7;
	v6 =	vshll.u32 v8, $0x1  }
0x48: {  	v6 =	vor.u32 v1, v6;
	v7 =	vld [tilespmem:s20+$0xFFFFFFF0];
	_ =	sdelay $0x4  }
0x49: {  	[tilespmem:v6+s3+$0x0] =	vst.idx.msk $0xffff, v7  }
0x4a: {  	v6 =	vor.u32 $0x1, v6;
	v7 =	vld [tilespmem:s21+$0xFFFFFFF0];
	_ =	sdelay $0x2  }
0x4b: {  	s24 =	sadd.s32 $0x20, s23  }
0x4c: {  	v8 =	vmov s24  }
0x4d: {  	[tilespmem:v6+s3+$0x0] =	vst.idx.msk $0xffff, v7;
	v6 =	vshll.u32 v8, $0x1  }
0x4e: {  	v6 =	vor.u32 v1, v6;
	v7 =	vld [tilespmem:s20+$0x0];
	_ =	sdelay $0x4  }
0x4f: {  	[tilespmem:v6+s3+$0x0] =	vst.idx.msk $0xffff, v7  }
0x50: {  	v6 =	vor.u32 $0x1, v6;
	v7 =	vld [tilespmem:s21+$0x0];
	_ =	sdelay $0x2  }
0x51: {  	s24 =	sadd.s32 $0x30, s23  }
0x52: {  	v8 =	vmov s24  }
0x53: {  	[tilespmem:v6+s3+$0x0] =	vst.idx.msk $0xffff, v7;
	v6 =	vshll.u32 v8, $0x1  }
0x54: {  	v7 =	vor.u32 v1, v6;
	v6 =	vld [tilespmem:s20+$0x10];
	_ =	sdelay $0x4  }
.Ltmp1:
0x55: {  	[tilespmem:v7+s3+$0x0] =	vst.idx.msk $0xffff, v6;
	(pc) =	sbr.rel @p0 .LBB2_4-.Ltmp1, $2  }
0x56: {  	v7 =	vor.u32 $0x1, v7;
	v6 =	vld [tilespmem:s21+$0x10];
	_ =	sdelay $0x2  }
0x57: {  	s23 =	sadd.s32 $0x40, s23  }
0x58: {  	_ =	sdelay $0x3  }
0x59: {  	[tilespmem:v7+s3+$0x0] =	vst.idx.msk $0xffff, v6  }
0x5a: {  	v6 =	vld [tilespmem:$0x10080];
	_ =	sdelay $0x4  }
0x5b: {  	[tilespmem:v4+s3+$0x0] =	vst.idx.msk $0xffff, v6  }
0x5c: {  	v6 =	vld [tilespmem:$0x11480];
	_ =	sdelay $0x4  }
0x5d: {  	[tilespmem:v5+s3+$0x0] =	vst.idx.msk $0xffff, v6  }
0x5e: {  	[tilespmem:s15], [sflag:$0x1] =	stream.linear.gather [hbm4b:s7+s3], $0x2800, $0x38;
	[tilespmem:$0x16320] =	vst v63  }
0x5f: {  	_ =	swait.ge [sflag:s12], $0x2800  }
0x60: {  	[sflag:s12] =	ssyncset.done $0x0  }
0x61: {  	[sflag:s12] =	ssyncadd.s32 $0xFFFFD800  }
0x62: {  	s22 =	simm.s32 $0x10;
	[bflag:$0x0] =	sbarrier.arrive $0xFFFF  }
0x63: {  	v6 =	vld [tilespmem:s22+$0xFFFFFFF0];
	_ =	sdelay $0x4  }
0x64: {  	(xrf1) =	vunique.msk.u32 $0xffff, v6;
	_ =	sdelay $0xb  }
0x65: {  	v7 =	vld.idx.msk [tilespmem:v6+s15+$0x0], $0xffff;
	_ =	sdelay $0x1  }
0x66: {  	_, v8, vm0 =	vpop (xrf1);
	_ =	sdelay $0x2  }
0x67: {  	v7 =	vadd.s32 v7, v8  }
0x68: {  	s20 =	simm.s32 $0x4F90;
	v8 =	vadd.s32 $0xFFFFFFFF, v7  }
0x69: {  	[tilespmem:s20+$0xFFFFFFF0] =	vst v8;
	v8 =	vor.u32 s10, v0  }
0x6a: {  	s21 =	simm.s32 $0x7710;
	[tilespmem:v6+s15+$0x0] =	vst.idx.msk vm0, v7;
	v6 =	vshrl.u32 v8, $0x1  }
0x6b: {  	[tilespmem:s21+$0xFFFFFFF0] =	vst v6  }
0x6c: {  	v6 =	vld [tilespmem:s22+$0x0];
	_ =	sdelay $0x4  }
0x6d: {  	(xrf1) =	vunique.msk.u32 $0xffff, v6;
	_ =	sdelay $0xb  }
0x6e: {  	v7 =	vld.idx.msk [tilespmem:v6+s15+$0x0], $0xffff;
	_ =	sdelay $0x1  }
0x6f: {  	_, v8, vm15 =	vpop (xrf1);
	_ =	sdelay $0x2  }
0x70: {  	v7 =	vadd.s32 v7, v8  }
0x71: {  	s31 =	sadd.s32 $0x10, s10;
	v8 =	vadd.s32 $0xFFFFFFFF, v7  }
0x72: {  	s23 =	simm.s32 $0x7730;
	[tilespmem:s20+$0x0] =	vst v8;
	v8 =	vor.u32 s31, v0  }
0x73: {  	s24 =	simm.s32 $0x30;
	s25 =	smov.u32 s10;
	s22 =	simm.s32 $0x0;
	[tilespmem:v6+s15+$0x0] =	vst.idx.msk vm15, v7;
	v6 =	vshrl.u32 v8, $0x1  }
.LBB2_6:
0x74: {  	s22 =	sadd.s32 $0x2, s22;
	[tilespmem:s21+$0x0] =	vst v6;
	s25 =	sadd.s32 $0x20, s25;
	s20 =	sadd.s32 $0x20, s20  }
0x75: {  	s21 =	smov.u32 s23;
	v6 =	vld [tilespmem:s24+$0xFFFFFFF0];
	p0 =	slt.u32 s22, $0x26E;
	_ =	sdelay $0x4  }
0x76: {  	(xrf1) =	vunique.msk.u32 $0xffff, v6;
	_ =	sdelay $0xa  }
0x77: {  	v7 =	vld.idx.msk [tilespmem:v6+s15+$0x0], $0xffff;
	_ =	sdelay $0x2  }
0x78: {  	_, v8, vm0 =	vpop (xrf1);
	_ =	sdelay $0x2  }
0x79: {  	v7 =	vadd.s32 v7, v8  }
0x7a: {  	v8 =	vadd.s32 $0xFFFFFFFF, v7  }
0x7b: {  	[tilespmem:s20+$0xFFFFFFF0] =	vst v8;
	v8 =	vor.u32 s25, v0  }
0x7c: {  	[tilespmem:v6+s15+$0x0] =	vst.idx.msk vm0, v7;
	v6 =	vshrl.u32 v8, $0x1  }
0x7d: {  	[tilespmem:s23+$0xFFFFFFF0] =	vst v6  }
0x7e: {  	v6 =	vld [tilespmem:s24+$0x0];
	_ =	sdelay $0x4  }
0x7f: {  	(xrf1) =	vunique.msk.u32 $0xffff, v6;
	_ =	sdelay $0xa  }
0x80: {  	v7 =	vld.idx.msk [tilespmem:v6+s15+$0x0], $0xffff;
	_ =	sdelay $0x2  }
0x81: {  	_, v8, vm0 =	vpop (xrf1);
	_ =	sdelay $0x1  }
.Ltmp2:
0x82: {  	(pc) =	sbr.rel @p0 .LBB2_6-.Ltmp2, $4  }
0x83: {  	v7 =	vadd.s32 v7, v8  }
0x84: {  	s26 =	sadd.s32 $0x10, s25;
	v8 =	vadd.s32 $0xFFFFFFFF, v7  }
0x85: {  	[tilespmem:s20+$0x0] =	vst v8;
	v8 =	vor.u32 s26, v0  }
0x86: {  	s23 =	sadd.s32 $0x20, s23;
	s24 =	sadd.s32 $0x20, s24;
	[tilespmem:v6+s15+$0x0] =	vst.idx.msk vm0, v7;
	v6 =	vshrl.u32 v8, $0x1  }
0x87: {  	[tilespmem:s21+$0x0] =	vst v6  }
0x88: {  	v6 =	vld [tilespmem:$0x2700];
	_ =	sdelay $0x4  }
0x89: {  	(xrf1) =	vunique.msk.u32 $0xffff, v6;
	_ =	sdelay $0xb  }
0x8a: {  	v7 =	vld.idx.msk [tilespmem:v6+s15+$0x0], $0xffff;
	_ =	sdelay $0x1  }
0x8b: {  	_, v8, vm0 =	vpop (xrf1);
	_ =	sdelay $0x2  }
0x8c: {  	v7 =	vadd.s32 v7, v8  }
0x8d: {  	v8 =	vadd.s32 $0xFFFFFFFF, v7  }
0x8e: {  	[tilespmem:$0x7680] =	vst v8  }
0x8f: {  	[tilespmem:v6+s15+$0x0] =	vst.idx.msk vm0, v7  }
0x90: {  	[tilespmem:$0x9E00] =	vst v2  }
0x91: {  	[spmem:s2] =	stream.indirect.scatter.add.s32 [tilespmem:s18], [sflag:$0x1], $0x1, s17, s16, $0xb8;
	[tilespmem:$0x16320] =	vst v63  }
0x92: {  	_ =	swait.ge [sflag:s12], $0x2710  }
0x93: {  	[sflag:s12] =	ssyncset.done $0x0  }
0x94: {  	[sflag:s12] =	ssyncadd.s32 $0xFFFFD8F0  }
0x95: {  	[bflag:$0x0] =	sbarrier.arrive $0xFFFF  }
0x96: {  	[tilespmem:s11], [sflag:$0x1] =	stream.linear.gather [spmem:s4], $0x4E20, $0x38;
	[tilespmem:$0x16320] =	vst v63  }
0x97: {  	s19 =	sadd.s32 $0x1, s19;
	_ =	swait.ge [sflag:s12], $0x4E20  }
0x98: {  	p0 =	sne.s32 s19, s9;
	[sflag:s12] =	ssyncset.done $0x0  }
.Ltmp3:
0x99: {  	[sflag:s12] =	ssyncadd.s32 $0xFFFFB1E0;
	(pc) =	sbr.rel @p0 .LBB2_1-.Ltmp3, $4  }
0x9a: {  	[hbm4b:s8+s3] =	stream.linear.scatter [tilespmem:s11], [sflag:$0x1], $0x4E20, $0x38;
	[tilespmem:$0x16320] =	vst v63  }
0x9b: {  	_ =	swait.ge [sflag:s12], $0x4E20  }
0x9c: {  	[sflag:s12] =	ssyncset.done $0x0  }
0x9d: {  	[sflag:s12] =	ssyncadd.s32 $0xFFFFB1E0  }
0x9e: {  	_ =	sfence.sel $0x180000  }
0x9f: {  	[bflag:$0x0] =	sbarrier.arrive $0xFFFF  }
0xa0: {  	p0 =	sne.s32 s0, $0x0;
	_ =	strace $0x9000004A  }
0xa1: {  	s0 =	sadd.s32 @!p0 $0x100000, s1;
	[bflag:$0x2] =	sbarrier.arrive $0xFFFF  }
0xa2: {  	[sflag:s0] =	ssyncadd.tile.s32 @!p0 $0x1;
	_ =	shalt  }
.Lfunc_end2:
_tile_overlayer_lowered:
.L_overlay_start_2:
0xa3: {  	(tag) =	ssettag $0x2  }
0xa4: {  	s0 =	rddreg [dreg:$0x0];
	s2 =	stileid.u32  }
0xa5: {  	s1 =	rddreg [dreg:$0x1];
	p0 =	sne.s32 s2, $0x0  }
0xa6: {  	s3 =	rddreg [dreg:$0x2];
	[bflag:$0x3] =	sbarrier.arrive $0xFFFF;
	s2 =	simm.s32 @!p0 $0x1C01  }
0xa7: {  	[timem:s3], [sflag:s2] =	dma.local @!p0 [hbm:s0], s1  }
0xa8: {  	s0 =	simm.s32 @!p0 $0x1  }
0xa9: {  	_ =	swait.ge @!p0 [sflag:s0], s1  }
0xaa: {  	s1 =	ssub.s32 @!p0 $0x0, s1;
	[sflag:s0] =	ssyncset.done @!p0 $0x0  }
0xab: {  	[sflag:s0] =	ssyncadd.s32 @!p0 s1  }
0xac: {  	[bflag:$0x3] =	sbarrier.arrive $0xFFFF  }
0xad: {  	_ =	shalt  }

// kernel: kernel.13.cloned.1.call-start
scs
__scs_entry_jumppad:
0x0: {  	(pc) =	sbr.rel $0x88, $3  }
0x1: {  	(tag) =	ssettag $0x0;
	lr =	simm.s32 $0x1  }
0x2: {  	[smem:$0x3F9E] =	sst lr;
	_ =	strace $0xD0000000  }
0x3: {  	_ = 	snop  }
0x4: {  	_ = 	snop  }
0x5: {  	_ = 	snop  }
0x6: {  	_ = 	snop  }
0x7: {  	_ = 	snop  }
__scs_overlays_trampoline_lowered:
0x8: {  	[smem:$0x3FAD] =	sst s0  }
0x9: {  	[smem:$0x3FAE] =	sst s1  }
0xa: {  	[smem:$0x3FAF] =	sst s2  }
0xb: {  	[smem:$0x3FB0] =	sst s3  }
0xc: {  	[smem:$0x3FB1] =	sst s4  }
0xd: {  	[smem:$0x3FB2] =	sst s5  }
0xe: {  	[smem:$0x3FB3] =	sst s6  }
0xf: {  	[smem:$0x3FB4] =	sst s7  }
0x10: {  	[smem:$0x3FB5] =	sst s8  }
0x11: {  	[smem:$0x3FB6] =	sst s9;
	s0 =	simm.s32 @!p0 $0x0  }
0x12: {  	s1 =	sld [smem:$0x3F9C];
	s0 =	simm.s32 @p0 $0x1  }
0x13: {  	[smem:$0x3FB7] =	sst s0;
	s0 =	simm.s32 @!p1 $0x0  }
0x14: {  	s2 =	sld [smem:$0x3F9B];
	s0 =	simm.s32 @p1 $0x1  }
0x15: {  	[smem:$0x3FB8] =	sst s0;
	s0 =	simm.s32 @!p2 $0x0  }
0x16: {  	s3 =	sld [smem:$0x3FDB];
	s0 =	simm.s32 @p2 $0x1  }
0x17: {  	s4 =	simm.s32 $0x1BF5;
	[smem:$0x3FBA] =	sst s0  }
0x18: {  	s0 =	sld [smem:$0x3F9D];
	_ =	swait.ge [sflag:s4], $0x0  }
0x19: {  	s7 =	sld [smem:$0x3F9E]  }
0x1a: {  	s8 =	sadd.s32 $0xFFFFE003, lr  }
0x1b: {  	s9 =	sadd.s32 $0xFFFFFEF7, lr;
	s5 =	simm.s32 $0xFFFFFFFF;
	p2 =	slt.u32 s8, $0xFFFFF086  }
0x1c: {  	p1 =	slt.u32 s9, $0xF7A;
	s5 =	simm.s32 @!p2 $0x0  }
0x1d: {  	s5 =	simm.s32 @p1 $0x1;
	p0 =	seq.s32 s7, s2  }
0x1e: {  	s7 =	smul.u32 @!p0 $0xF7A, s2;
	p2 =	seq.s32 @!p0 s5, $0x0  }
0x1f: {  	s9 =	smul.u32 $0xF7A, s1;
	s8 =	simm.s32 @!p0 $0x1BF5;
	p2 =	por !p2, p0  }
0x20: {  	[sflag:s8] =	ssyncset.s32 @!p0 $0xFFFFF086;
	s6 =	sadd.s32 @!p0 s3, s7;
	s7 =	simm.s32 @!p0 $0x108  }
0x21: {  	s3 =	sadd.s32 s3, s9;
	s6 =	sadd.s32 @!p0 $0x88, s6;
	s7 =	simm.s32 @p2 $0x1082  }
0x22: {  	[simem:s7], [sflag:s8] =	dma.local @!p0 [hbm:s6], $0xF7A  }
0x23: {  	s9 =	sor.u32 $0xD0000000, s2;
	s6 =	simm.s32 $0x108;
	_ =	swait.ge @!p0 [sflag:s8], $0x0  }
0x24: {  	s3 =	sadd.s32 $0x88, s3;
	s6 =	simm.s32 @!p1 $0x1082;
	[sflag:s4] =	ssyncset.s32 $0xFFFFF086  }
0x25: {  	[simem:s6], [sflag:s4] =	dma.local [hbm:s3], $0xF7A  }
0x26: {  	[smem:$0x3F9E] =	sst s1;
	(tag) =	ssettag s2;
	_ =	strace s9  }
0x27: {  	s1 =	sld [smem:$0x3FAE]  }
0x28: {  	s2 =	sld [smem:$0x3FAF]  }
0x29: {  	s4 =	sld [smem:$0x3FB1]  }
0x2a: {  	p0 =	seq.s32 s5, $0x0;
	s5 =	sld [smem:$0x3FB2]  }
0x2b: {  	s6 =	sld [smem:$0x3FB3]  }
0x2c: {  	s7 =	sld [smem:$0x3FB4]  }
0x2d: {  	s3 =	simm.s32 $0x108;
	s8 =	sld [smem:$0x3FB5]  }
0x2e: {  	s3 =	simm.s32 @!p0 $0x1082;
	s9 =	sld [smem:$0x3FB6]  }
0x2f: {  	lr =	sadd.s32 s0, s3;
	s0 =	sld [smem:$0x3FAD]  }
0x30: {  	s3 =	sld [smem:$0x3FB0]  }
0x31: {  	[smem:$0x3FB9] =	sst s10  }
0x32: {  	s10 =	sld [smem:$0x3FB7];
	_ =	sdelay $0x3  }
0x33: {  	p0 =	seq.s32 s10, $0x1;
	s10 =	sld [smem:$0x3FB9];
	_ =	sdelay $0x3  }
0x34: {  	[smem:$0x3FB9] =	sst s10  }
0x35: {  	s10 =	sld [smem:$0x3FB8];
	_ =	sdelay $0x3  }
0x36: {  	p1 =	seq.s32 s10, $0x1;
	s10 =	sld [smem:$0x3FB9];
	_ =	sdelay $0x3  }
0x37: {  	[smem:$0x3FB9] =	sst s10  }
0x38: {  	s10 =	sld [smem:$0x3FBA]  }
0x39: {  	_ = 	snop;
	(pc) =	sbr.ind lr, $3  }
0x3a: {  	_ = 	snop  }
0x3b: {  	_ = 	snop  }
0x3c: {  	p2 =	seq.s32 s10, $0x1;
	s10 =	sld [smem:$0x3FB9]  }
0x3d: {  	_ =	shalt  }
0x3e: {  	_ =	shalt  }
0x3f: {  	_ =	shalt  }
0x40: {  	_ =	shalt  }
0x41: {  	_ =	shalt  }
0x42: {  	_ =	shalt  }
0x43: {  	_ =	shalt  }
0x44: {  	_ =	shalt  }
0x45: {  	_ =	shalt  }
0x46: {  	_ =	shalt  }
0x47: {  	_ =	shalt  }
0x48: {  	_ =	shalt  }
0x49: {  	_ =	shalt  }
0x4a: {  	_ =	shalt  }
0x4b: {  	_ =	shalt  }
0x4c: {  	_ =	shalt  }
0x4d: {  	_ =	shalt  }
0x4e: {  	_ =	shalt  }
0x4f: {  	_ =	shalt  }
0x50: {  	_ =	shalt  }
0x51: {  	_ =	shalt  }
0x52: {  	_ =	shalt  }
0x53: {  	_ =	shalt  }
0x54: {  	_ =	shalt  }
0x55: {  	_ =	shalt  }
0x56: {  	_ =	shalt  }
0x57: {  	_ =	shalt  }
0x58: {  	_ =	shalt  }
0x59: {  	_ =	shalt  }
0x5a: {  	_ =	shalt  }
0x5b: {  	_ =	shalt  }
0x5c: {  	_ =	shalt  }
0x5d: {  	_ =	shalt  }
0x5e: {  	_ =	shalt  }
0x5f: {  	_ =	shalt  }
0x60: {  	_ =	shalt  }
0x61: {  	_ =	shalt  }
0x62: {  	_ =	shalt  }
0x63: {  	_ =	shalt  }
0x64: {  	_ =	shalt  }
0x65: {  	_ =	shalt  }
0x66: {  	_ =	shalt  }
0x67: {  	_ =	shalt  }
0x68: {  	_ =	shalt  }
0x69: {  	_ =	shalt  }
0x6a: {  	_ =	shalt  }
0x6b: {  	_ =	shalt  }
0x6c: {  	_ =	shalt  }
0x6d: {  	_ =	shalt  }
0x6e: {  	_ =	shalt  }
0x6f: {  	_ =	shalt  }
0x70: {  	_ =	shalt  }
0x71: {  	_ =	shalt  }
0x72: {  	_ =	shalt  }
0x73: {  	_ =	shalt  }
0x74: {  	_ =	shalt  }
0x75: {  	_ =	shalt  }
0x76: {  	_ =	shalt  }
0x77: {  	_ =	shalt  }
0x78: {  	_ =	shalt  }
0x79: {  	_ =	shalt  }
0x7a: {  	_ =	shalt  }
0x7b: {  	_ =	shalt  }
0x7c: {  	_ =	shalt  }
0x7d: {  	_ =	shalt  }
0x7e: {  	_ =	shalt  }
0x7f: {  	_ =	shalt  }
0x80: {  	_ =	shalt  }
0x81: {  	_ =	shalt  }
0x82: {  	_ =	shalt  }
0x83: {  	_ =	shalt  }
0x84: {  	_ =	shalt  }
0x85: {  	_ =	shalt  }
0x86: {  	_ =	shalt  }
0x87: {  	_ =	shalt  }
.Lfunc_end0:
.L_simem_size_0:
called_computation.2_lowered:
.L_overlay_start_0:
0x88: {  	s2 =	sld [smem:$0x3FD9]  }
0x89: {  	s3 =	sld [smem:$0x3FFE];
	_ =	sdelay $0x1  }
0x8a: {  	s1 =	srdreg.scid  }
0x8b: {  	s0 =	sand.u32 $0x1, s1  }
0x8c: {  	s14 =	sshll.u32 s0, $0xA;
	s2 =	sadd.s32 s3, s2  }
0x8d: {  	s2 =	sadd.s32 s2, s14  }
0x8e: {  	[smem:$0x3FC5] =	sst s2  }
0x8f: {  	_ = 	snop  }
0x90: {  	s2 =	sld [smem:$0x3FD0];
	_ =	sdelay $0x2  }
0x91: {  	s15 =	simm.s32 $0xA;
	s4 =	simm.s32 $0x10  }
0x92: {  	[smem:s4], [sflag:s15] =	dma.local [hbm:s2], $0x1  }
0x93: {  	_ =	swait.eq [sflag:s15], $0x1  }
0x94: {  	[sflag:s15] =	ssyncset.done $0x0  }
0x95: {  	[sflag:s15] =	ssyncadd.s32 $0xFFFFFFFF  }
0x96: {  	s16 =	sld [smem:$0x11];
	(tm) =	ssettm $0x1  }
0x97: {  	s17 =	sld [smem:$0x3FFB];
	_ =	sdelay $0x3  }
0x98: {  	_ =	strace s17  }
0x99: {  	s3 =	sld [smem:$0x3FFC];
	_ =	sdelay $0x3  }
0x9a: {  	_ =	strace s3  }
0x9b: {  	s3 =	sld [smem:$0x3FFD];
	_ =	sdelay $0x3  }
0x9c: {  	_ =	strace s3  }
0x9d: {  	_ =	strace $0x8FFFFFFF  }
0x9e: {  	s18 =	sld [smem:$0x3FDB];
	_ =	sdelay $0x1  }
0x9f: {  	s19 =	simm.s32 $_scs_section_size  }
0xa0: {  	s5 =	simm.s32 $_size__tile_overlayer_lowered;
	s6 =	simm.s32 $_tile_overlayer_lowered  }
0xa1: {  	s22 =	simm.s32 $0x1BFF;
	s21 =	sshll.u32 s6, $0x1;
	s3 =	sadd.s32 s19, s18  }
0xa2: {  	s7 =	simm.s32 $0x0;
	s20 =	sshll.u32 s5, $0x1;
	s5 =	sadd.s32 s21, s3  }
0xa3: {  	[timem:s7], [sflag:s22] =	dma.local [hbm:s5], s20  }
0xa4: {  	_ =	swait.ge [sflag:s22], s20  }
0xa5: {  	s4 =	ssub.s32 $0x0, s20;
	[sflag:s22] =	ssyncset.done $0x0  }
0xa6: {  	[sflag:s22] =	ssyncadd.s32 s4;
	_ =	sdelay $0x1  }
0xa7: {  	s23 =	simm.s32 $0x1B8B  }
0xa8: {  	_ =	swait.ge [sflag:s23], $0x1  }
0xa9: {  	[sflag:s23] =	ssyncset.done $0x0  }
0xaa: {  	s25 =	simm.s32 $0x1B8E;
	s24 =	sld [smem:$0x3FFE];
	[sflag:s23] =	ssyncadd.s32 $0xFFFFFFFF  }
0xab: {  	s26 =	simm.s32 $execute0_lowered;
	[smem:$0x3FD2] =	sst s25  }
0xac: {  	s5 =	sshll.u32 s26, $0x1;
	_ =	strace $0x8000004C;
	[dreg:$0x1] =	wrdreg $0xFFFFFFFF  }
0xad: {  	s28 =	simm.s32 $_size_execute0_lowered;
	s3 =	sadd.s32 s3, s5;
	[dreg:$0x0] =	wrdreg $0x0  }
0xae: {  	s5 =	sshll.u32 s28, $0x1;
	[dreg:$0x2] =	wrdreg s3  }
0xaf: {  	[dreg:$0x3] =	wrdreg s5  }
0xb0: {  	[dreg:$0x4] =	wrdreg $0xC0  }
0xb1: {  	_ =	task [dreg:s7], $0x5FFFF  }
0xb2: {  	[dreg:$0x1] =	wrdreg $0xFFFFFFFF  }
0xb3: {  	[dreg:$0x0] =	wrdreg $0x60  }
0xb4: {  	[dreg:$0x2] =	wrdreg s24  }
0xb5: {  	[dreg:$0x3] =	wrdreg s16  }
0xb6: {  	[dreg:$0x4] =	wrdreg $0x9  }
0xb7: {  	_ =	task.clear_ibuf [dreg:s7], $0x5FFFF;
	_ =	strace $0x9000004C  }
0xb8: {  	s29 =	simm.s32 $0x9;
	_ =	strace $0x8000004E  }
0xb9: {  	_ =	swait.ge [sflag:s29], $0x1  }
0xba: {  	[sflag:s29] =	ssyncadd.s32 $0xFFFFFFFF  }
0xbb: {  	_ =	strace $0x9000004E  }
0xbc: {  	_ =	sfence  }
0xbd: {  	s30 =	sld [smem:$0x0];
	_ =	sdelay $0x2  }
0xbe: {  	s31 =	sshll.u32 s1, $0xD;
	s1 =	sshrl.u32 s1, $0x2  }
0xbf: {  	s3 =	sand.u32 $0x4000, s31;
	s1 =	sadd.s32 s1, s30  }
0xc0: {  	s0 =	sor.u32 s3, s0;
	s1 =	sshll.u32 s1, $0x11  }
0xc1: {  	s0 =	sor.u32 s1, s0  }
0xc2: {  	s0 =	sadd.s32 $0x8F2B, s0  }
0xc3: {  	[sflag:s0] =	ssyncadd.remote.s32 $0x1  }
0xc4: {  	_ =	sfence.sel $0xFFFF  }
0xc5: {  	[dreg:$0x0] =	wrdreg $0xFFFFFFFF;
	(pc) =	sbr.abs _section_cstart, $3  }
0xc6: {  	[dreg:$0x1] =	wrdreg $0xFFFFFFFF  }
0xc7: {  	_ =	task.clear_ibuf [dreg:s7], $0x2FFFF;
	_ =	strace $0x9FFFFFFF  }
0xc8: {  	(tm) =	ssettm $0x7FFFFFFF  }
0xc9: {  	_ =	shalt  }
tec
execute0_lowered:
.L_overlay_start_1:
0x0: {  	(tag) =	ssettag $0x1  }
0x1: {  	s1 =	srdreg.scid;
	s6 =	rddreg [dreg:$0x0]  }
0x2: {  	s0 =	stileid.u32;
	s2 =	rddreg [dreg:$0x1]  }
0x3: {  	s3 =	simm.s32 $0x0;
	s10 =	simm.s32 $0x2780;
	s11 =	simm.s32 $0x190  }
0x4: {  	s12 =	simm.s32 $0x4F00;
	s5 =	sand.u32 $0x1, s1;
	s31 =	sshll.u32 s0, $0x1  }
0x5: {  	s13 =	simm.s32 $0x1;
	s14 =	simm.s32 $0x1DF00;
	s4 =	sor.u32 s5, s31  }
0x6: {  	s15 =	simm.s32 $0x4;
	s16 =	simm.s32 $0x2;
	s4 =	smul.u32 $0x2710, s4  }
.Ltmp0:
0x7: {  	s17 =	simm.s32 $0x0;
	s1 =	rddreg [dreg:$0x2];
	(pc) =	sbr.rel .LBB2_1-.Ltmp0, $4  }
0x8: {  	[smem:$0x7FF] =	sst s3;
	s7 =	ssub.s32 $0x2, s5;
	s8 =	sshrl.u32 s4, $0x3  }
0x9: {  	_ =	strace $0x8000004D;
	s9 =	sshrl.u32 s7, $0x1;
	s8 =	sadd.s32 s8, s6  }
0xa: {  	s5 =	sadd.s32 $0x287A00, s6;
	s9 =	ssub.s32 s7, s9;
	s6 =	sadd.s32 $0x3000, s8  }
0xb: {  	s7 =	sadd.s32 $0xCC40, s8;
	s8 =	smax.u32 s9, $0x1;
	s9 =	simm.s32 $0x3  }
.LBB2_11:
0xc: {  	s17 =	sadd.s32 $0x1, s17  }
0xd: {  	p0 =	sne.s32 s17, s8  }
.Ltmp1:
0xe: {  	_ = 	snop;
	(pc) =	sbr.rel @!p0 .LBB2_12-.Ltmp1, $1  }
0xf: {  	_ =	sdelay $0x3  }
.LBB2_1:
0x10: {  	[tilespmem:s3], [sflag:$0x3] =	stream.linear.gather [hbm4b:s6+s3], $0x2710, $0x38;
	[tilespmem:$0x1F800] =	vst v63  }
0x11: {  	_ =	swait.ge [sflag:s9], $0x2710  }
0x12: {  	[sflag:s9] =	ssyncset.done $0x0  }
0x13: {  	[sflag:s9] =	ssyncadd.s32 $0xFFFFD8F0  }
0x14: {  	[tilespmem:s10], [sflag:$0x3] =	stream.linear.gather [hbm4b:s7+s3], $0x2710, $0x38;
	[tilespmem:$0x1F800] =	vst v63  }
0x15: {  	_ =	swait.ge [sflag:s9], $0x2710  }
0x16: {  	[sflag:s9] =	ssyncset.done $0x0  }
0x17: {  	s18 =	simm.s32 $0x20;
	[sflag:s9] =	ssyncadd.s32 $0xFFFFD8F0  }
0x18: {  	s19 =	simm.s32 $0x27A0;
	v0 =	vld [tilespmem:s18+$0xFFFFFFE0]  }
0x19: {  	v1 =	vld [tilespmem:s19+$0xFFFFFFE0];
	_ =	sdelay $0x4  }
0x1a: {  	v0 =	vadd.s32 v0, v1  }
0x1b: {  	[tilespmem:s18+$0xFFFFFFE0] =	vst v0;
	v0 =	vld [tilespmem:s18+$0xFFFFFFF0]  }
0x1c: {  	v1 =	vld [tilespmem:s19+$0xFFFFFFF0];
	_ =	sdelay $0x4  }
0x1d: {  	v0 =	vadd.s32 v0, v1  }
0x1e: {  	[tilespmem:s18+$0xFFFFFFF0] =	vst v0;
	v0 =	vld [tilespmem:s18+$0x0]  }
0x1f: {  	v1 =	vld [tilespmem:s19+$0x0];
	_ =	sdelay $0x4  }
0x20: {  	v0 =	vadd.s32 v0, v1  }
0x21: {  	[tilespmem:s18+$0x0] =	vst v0;
	v0 =	vld [tilespmem:s18+$0x10]  }
0x22: {  	v1 =	vld [tilespmem:s19+$0x10];
	_ =	sdelay $0x4  }
0x23: {  	s20 =	simm.s32 $0x0;
	s21 =	simm.s32 $0x60;
	v0 =	vadd.s32 v0, v1  }
.LBB2_2:
0x24: {  	v1 =	vld [tilespmem:s21+$0xFFFFFFE0];
	[tilespmem:s18+$0x10] =	vst v0;
	s19 =	sadd.s32 $0x40, s19;
	s18 =	smov.u32 s21  }
0x25: {  	s20 =	sadd.s32 $0x4, s20;
	v0 =	vld [tilespmem:s19+$0xFFFFFFE0]  }
0x26: {  	p0 =	slt.u32 s20, $0x26C;
	_ =	sdelay $0x3  }
0x27: {  	v0 =	vadd.s32 v1, v0  }
0x28: {  	[tilespmem:s21+$0xFFFFFFE0] =	vst v0;
	v0 =	vld [tilespmem:s21+$0xFFFFFFF0]  }
0x29: {  	v1 =	vld [tilespmem:s19+$0xFFFFFFF0];
	_ =	sdelay $0x4  }
0x2a: {  	v0 =	vadd.s32 v0, v1  }
0x2b: {  	[tilespmem:s21+$0xFFFFFFF0] =	vst v0;
	v0 =	vld [tilespmem:s21+$0x0]  }
0x2c: {  	v1 =	vld [tilespmem:s19+$0x0];
	_ =	sdelay $0x4  }
0x2d: {  	v0 =	vadd.s32 v0, v1  }
0x2e: {  	[tilespmem:s21+$0x0] =	vst v0;
	v0 =	vld [tilespmem:s21+$0x10]  }
0x2f: {  	v1 =	vld [tilespmem:s19+$0x10]  }
.Ltmp2:
0x30: {  	(pc) =	sbr.rel @p0 .LBB2_2-.Ltmp2, $2  }
0x31: {  	_ =	sdelay $0x2  }
0x32: {  	s21 =	sadd.s32 $0x40, s21;
	v0 =	vadd.s32 v0, v1  }
0x33: {  	[tilespmem:s18+$0x10] =	vst v0  }
0x34: {  	v0 =	vld [tilespmem:$0x2700]  }
0x35: {  	v1 =	vld [tilespmem:$0x4E80];
	_ =	sdelay $0x2  }
.Ltmp3:
0x36: {  	_ = 	snop;
	(pc) =	sbr.rel .LBB2_4-.Ltmp3, $4  }
0x37: {  	_ = 	snop  }
0x38: {  	v0 =	vadd.s32 v0, v1  }
0x39: {  	s18 =	simm.s32 $0x0;
	[tilespmem:$0x2700] =	vst v0  }
0x3a: {  	[tilespmem:s12], [sflag:$0x1] =	stream.indirect.gather [hbm4b:s5+s11], $0x80, s18, s11, $0xb8;
	[tilespmem:$0x1F800] =	vst v63  }
.LBB2_10:
0x3b: {  	s18 =	sadd.s32 $0x1, s18  }
0x3c: {  	p0 =	sne.s32 s18, $0xD  }
.Ltmp4:
0x3d: {  	_ = 	snop;
	(pc) =	sbr.rel @!p0 .LBB2_11-.Ltmp4, $1  }
0x3e: {  	_ =	sdelay $0x3  }
.LBB2_4:
0x3f: {  	s19 =	sshllo.u32 s18, $0x1  }
0x40: {  	_ =	swait.ge [sflag:s13], $0xC800;
	p0 =	sgt.u32 s19, $0x18  }
0x41: {  	[sflag:s13] =	ssyncset.done $0x0;
	s20 =	smul.u32 @!p0 $0x640, s19  }
0x42: {  	s31 =	simm.s32 $0x5100;
	[sflag:s13] =	ssyncadd.s32 $0xFFFF3800  }
0x43: {  	s21 =	simm.s32 @!p0 $0x190;
	s22 =	simm.s32 @!p0 $0x11700;
	s20 =	sshra.s32 @!p0 s20, $0x2  }
0x44: {  	[tilespmem:s22], [sflag:$0x2] =	stream.indirect.gather @!p0 [hbm4b:s5+s21], $0x80, s20, s21, $0xb8;
	[tilespmem:$0x1F800] =	vst v63  }
0x45: {  	v0 =	vld [tilespmem:s31+$0xFFFFFE00];
	_ =	sdelay $0x3  }
0x46: {  	s20 =	simm.s32 $0x1DF40  }
0x47: {  	[tilespmem:s20+$0xFFFFFFC0] =	vst v0  }
0x48: {  	v0 =	vld [tilespmem:s31+$0xFFFFFE80];
	_ =	sdelay $0x4  }
0x49: {  	[tilespmem:s20+$0xFFFFFFD0] =	vst v0  }
0x4a: {  	v0 =	vld [tilespmem:s31+$0xFFFFFF00];
	_ =	sdelay $0x4  }
0x4b: {  	[tilespmem:s20+$0xFFFFFFE0] =	vst v0  }
0x4c: {  	v0 =	vld [tilespmem:s31+$0xFFFFFF80];
	_ =	sdelay $0x4  }
0x4d: {  	[tilespmem:s20+$0xFFFFFFF0] =	vst v0  }
0x4e: {  	v0 =	vld [tilespmem:s31+$0x0];
	_ =	sdelay $0x4  }
0x4f: {  	[tilespmem:s20+$0x0] =	vst v0  }
0x50: {  	v0 =	vld [tilespmem:s31+$0x80];
	_ =	sdelay $0x4  }
0x51: {  	[tilespmem:s20+$0x10] =	vst v0  }
0x52: {  	v0 =	vld [tilespmem:s31+$0x100];
	_ =	sdelay $0x4  }
0x53: {  	[tilespmem:s20+$0x20] =	vst v0  }
0x54: {  	v0 =	vld [tilespmem:s31+$0x180];
	_ =	sdelay $0x4  }
0x55: {  	s21 =	simm.s32 $0x0;
	s22 =	simm.s32 $0x5500;
	[tilespmem:s20+$0x30] =	vst v0  }
.LBB2_5:
0x56: {  	v0 =	vld [tilespmem:s22+$0xFFFFFE00];
	s21 =	sadd.s32 $0x8, s21  }
0x57: {  	p1 =	slt.u32 s21, $0x188;
	_ =	sdelay $0x2  }
0x58: {  	s20 =	sadd.s32 $0x80, s20  }
0x59: {  	[tilespmem:s20+$0xFFFFFFC0] =	vst v0  }
0x5a: {  	v0 =	vld [tilespmem:s22+$0xFFFFFE80];
	_ =	sdelay $0x4  }
0x5b: {  	[tilespmem:s20+$0xFFFFFFD0] =	vst v0  }
0x5c: {  	v0 =	vld [tilespmem:s22+$0xFFFFFF00];
	_ =	sdelay $0x4  }
0x5d: {  	[tilespmem:s20+$0xFFFFFFE0] =	vst v0  }
0x5e: {  	v0 =	vld [tilespmem:s22+$0xFFFFFF80];
	_ =	sdelay $0x4  }
0x5f: {  	[tilespmem:s20+$0xFFFFFFF0] =	vst v0  }
0x60: {  	v0 =	vld [tilespmem:s22+$0x0];
	_ =	sdelay $0x4  }
0x61: {  	[tilespmem:s20+$0x0] =	vst v0  }
0x62: {  	v0 =	vld [tilespmem:s22+$0x80];
	_ =	sdelay $0x4  }
0x63: {  	[tilespmem:s20+$0x10] =	vst v0  }
0x64: {  	v0 =	vld [tilespmem:s22+$0x100];
	_ =	sdelay $0x4  }
0x65: {  	[tilespmem:s20+$0x20] =	vst v0  }
0x66: {  	v0 =	vld [tilespmem:s22+$0x180]  }
.Ltmp5:
0x67: {  	(pc) =	sbr.rel @p1 .LBB2_5-.Ltmp5, $2  }
0x68: {  	_ =	sdelay $0x2  }
0x69: {  	s22 =	sadd.s32 $0x400, s22;
	[tilespmem:s20+$0x30] =	vst v0  }
0x6a: {  	s20 =	smul.u32 $0x320, s18;
	_ =	sdelay $0x1  }
0x6b: {  	s20 =	sadd.s32 s4, s20  }
0x6c: {  	s20 =	sshll.u32 s20, $0x1  }
.Ltmp6:
0x6d: {  	s20 =	sadd.s32 s2, s20;
	(pc) =	sbr.rel @p0 .LBB2_10-.Ltmp6, $4  }
0x6e: {  	[hbm4b:s20+s3] =	stream.linear.scatter [tilespmem:s14], [sflag:$0x4], $0x1900, $0x38;
	[tilespmem:$0x1F800] =	vst v63  }
0x6f: {  	_ =	swait.ge [sflag:s15], $0x1900  }
0x70: {  	[sflag:s15] =	ssyncset.done $0x0  }
0x71: {  	[sflag:s15] =	ssyncadd.s32 $0xFFFFE700  }
0x72: {  	s20 =	smul.u32 $0xC80, s18  }
0x73: {  	_ =	swait.ge [sflag:s16], $0xC800  }
0x74: {  	[sflag:s16] =	ssyncset.done $0x0;
	s20 =	sshra.s32 s20, $0x2  }
0x75: {  	s21 =	simm.s32 $0x11900;
	[sflag:s16] =	ssyncadd.s32 $0xFFFF3800;
	s20 =	sadd.s32 $0x320, s20  }
0x76: {  	[tilespmem:s12], [sflag:$0x1] =	stream.indirect.gather [hbm4b:s5+s11], $0x80, s20, s11, $0xb8;
	[tilespmem:$0x1F800] =	vst v63  }
0x77: {  	v0 =	vld [tilespmem:s21+$0xFFFFFE00];
	_ =	sdelay $0x3  }
0x78: {  	s20 =	simm.s32 $0x1DF40  }
0x79: {  	[tilespmem:s20+$0xFFFFFFC0] =	vst v0  }
0x7a: {  	v0 =	vld [tilespmem:s21+$0xFFFFFE80];
	_ =	sdelay $0x4  }
0x7b: {  	[tilespmem:s20+$0xFFFFFFD0] =	vst v0  }
0x7c: {  	v0 =	vld [tilespmem:s21+$0xFFFFFF00];
	_ =	sdelay $0x4  }
0x7d: {  	[tilespmem:s20+$0xFFFFFFE0] =	vst v0  }
0x7e: {  	v0 =	vld [tilespmem:s21+$0xFFFFFF80];
	_ =	sdelay $0x4  }
0x7f: {  	[tilespmem:s20+$0xFFFFFFF0] =	vst v0  }
0x80: {  	v0 =	vld [tilespmem:s21+$0x0];
	_ =	sdelay $0x4  }
0x81: {  	[tilespmem:s20+$0x0] =	vst v0  }
0x82: {  	v0 =	vld [tilespmem:s21+$0x80];
	_ =	sdelay $0x4  }
0x83: {  	[tilespmem:s20+$0x10] =	vst v0  }
0x84: {  	v0 =	vld [tilespmem:s21+$0x100];
	_ =	sdelay $0x4  }
0x85: {  	[tilespmem:s20+$0x20] =	vst v0  }
0x86: {  	v0 =	vld [tilespmem:s21+$0x180];
	_ =	sdelay $0x4  }
0x87: {  	s22 =	simm.s32 $0x11D00;
	s21 =	simm.s32 $0x0;
	[tilespmem:s20+$0x30] =	vst v0  }
.LBB2_8:
0x88: {  	v0 =	vld [tilespmem:s22+$0xFFFFFE00];
	s21 =	sadd.s32 $0x8, s21  }
0x89: {  	p0 =	slt.u32 s21, $0x188;
	_ =	sdelay $0x2  }
0x8a: {  	s20 =	sadd.s32 $0x80, s20  }
0x8b: {  	[tilespmem:s20+$0xFFFFFFC0] =	vst v0  }
0x8c: {  	v0 =	vld [tilespmem:s22+$0xFFFFFE80];
	_ =	sdelay $0x4  }
0x8d: {  	[tilespmem:s20+$0xFFFFFFD0] =	vst v0  }
0x8e: {  	v0 =	vld [tilespmem:s22+$0xFFFFFF00];
	_ =	sdelay $0x4  }
0x8f: {  	[tilespmem:s20+$0xFFFFFFE0] =	vst v0  }
0x90: {  	v0 =	vld [tilespmem:s22+$0xFFFFFF80];
	_ =	sdelay $0x4  }
0x91: {  	[tilespmem:s20+$0xFFFFFFF0] =	vst v0  }
0x92: {  	v0 =	vld [tilespmem:s22+$0x0];
	_ =	sdelay $0x4  }
0x93: {  	[tilespmem:s20+$0x0] =	vst v0  }
0x94: {  	v0 =	vld [tilespmem:s22+$0x80];
	_ =	sdelay $0x4  }
0x95: {  	[tilespmem:s20+$0x10] =	vst v0  }
0x96: {  	v0 =	vld [tilespmem:s22+$0x100];
	_ =	sdelay $0x4  }
0x97: {  	[tilespmem:s20+$0x20] =	vst v0  }
0x98: {  	v0 =	vld [tilespmem:s22+$0x180]  }
.Ltmp7:
0x99: {  	(pc) =	sbr.rel @p0 .LBB2_8-.Ltmp7, $2  }
0x9a: {  	_ =	sdelay $0x2  }
0x9b: {  	s22 =	sadd.s32 $0x400, s22;
	[tilespmem:s20+$0x30] =	vst v0  }
0x9c: {  	s19 =	smul.u32 $0x190, s19;
	_ =	sdelay $0x1  }
0x9d: {  	s19 =	sadd.s32 s4, s19  }
0x9e: {  	s19 =	sshll.u32 s19, $0x1  }
0x9f: {  	s19 =	sand.u32 $0x1FFFFFE0, s19  }
.Ltmp8:
0xa0: {  	s19 =	sadd.s32 s2, s19;
	(pc) =	sbr.rel .LBB2_10-.Ltmp8, $4  }
0xa1: {  	[hbm4b:s19+s3] =	stream.linear.scatter [tilespmem:s14], [sflag:$0x3], $0x1900, $0x38;
	[tilespmem:$0x1F800] =	vst v63  }
0xa2: {  	_ =	swait.ge [sflag:s9], $0x1900  }
0xa3: {  	[sflag:s9] =	ssyncset.done $0x0  }
0xa4: {  	[sflag:s9] =	ssyncadd.s32 $0xFFFFE700  }
.LBB2_12:
0xa5: {  	_ =	sfence.sel $0x180000  }
0xa6: {  	[bflag:$0x0] =	sbarrier.arrive $0xFFFF  }
0xa7: {  	p0 =	sne.s32 s0, $0x0;
	_ =	strace $0x9000004D  }
0xa8: {  	s0 =	sadd.s32 @!p0 $0x100000, s1;
	[bflag:$0x2] =	sbarrier.arrive $0xFFFF  }
0xa9: {  	[sflag:s0] =	ssyncadd.tile.s32 @!p0 $0x1;
	_ =	shalt  }
.Lfunc_end2:
_tile_overlayer_lowered:
.L_overlay_start_2:
0xaa: {  	(tag) =	ssettag $0x2  }
0xab: {  	s0 =	rddreg [dreg:$0x0];
	s2 =	stileid.u32  }
0xac: {  	s1 =	rddreg [dreg:$0x1];
	p0 =	sne.s32 s2, $0x0  }
0xad: {  	s3 =	rddreg [dreg:$0x2];
	[bflag:$0x3] =	sbarrier.arrive $0xFFFF;
	s2 =	simm.s32 @!p0 $0x1C03  }
0xae: {  	[timem:s3], [sflag:s2] =	dma.local @!p0 [hbm:s0], s1  }
0xaf: {  	s0 =	simm.s32 @!p0 $0x3  }
0xb0: {  	_ =	swait.ge @!p0 [sflag:s0], s1  }
0xb1: {  	s1 =	ssub.s32 @!p0 $0x0, s1;
	[sflag:s0] =	ssyncset.done @!p0 $0x0  }
0xb2: {  	[sflag:s0] =	ssyncadd.s32 @!p0 s1  }
0xb3: {  	[bflag:$0x3] =	sbarrier.arrive $0xFFFF  }
0xb4: {  	_ =	shalt  }

// kernel: kernel.7.cloned.1.call-start
scs
__scs_entry_jumppad:
0x0: {  	(pc) =	sbr.rel $0x88, $3  }
0x1: {  	(tag) =	ssettag $0x0;
	lr =	simm.s32 $0x1  }
0x2: {  	[smem:$0x3F9E] =	sst lr;
	_ =	strace $0xD0000000  }
0x3: {  	_ = 	snop  }
0x4: {  	_ = 	snop  }
0x5: {  	_ = 	snop  }
0x6: {  	_ = 	snop  }
0x7: {  	_ = 	snop  }
__scs_overlays_trampoline_lowered:
0x8: {  	[smem:$0x3FAD] =	sst s0  }
0x9: {  	[smem:$0x3FAE] =	sst s1  }
0xa: {  	[smem:$0x3FAF] =	sst s2  }
0xb: {  	[smem:$0x3FB0] =	sst s3  }
0xc: {  	[smem:$0x3FB1] =	sst s4  }
0xd: {  	[smem:$0x3FB2] =	sst s5  }
0xe: {  	[smem:$0x3FB3] =	sst s6  }
0xf: {  	[smem:$0x3FB4] =	sst s7  }
0x10: {  	[smem:$0x3FB5] =	sst s8  }
0x11: {  	[smem:$0x3FB6] =	sst s9;
	s0 =	simm.s32 @!p0 $0x0  }
0x12: {  	s1 =	sld [smem:$0x3F9C];
	s0 =	simm.s32 @p0 $0x1  }
0x13: {  	[smem:$0x3FB7] =	sst s0;
	s0 =	simm.s32 @!p1 $0x0  }
0x14: {  	s2 =	sld [smem:$0x3F9B];
	s0 =	simm.s32 @p1 $0x1  }
0x15: {  	[smem:$0x3FB8] =	sst s0;
	s0 =	simm.s32 @!p2 $0x0  }
0x16: {  	s3 =	sld [smem:$0x3FDB];
	s0 =	simm.s32 @p2 $0x1  }
0x17: {  	s4 =	simm.s32 $0x1BF5;
	[smem:$0x3FBA] =	sst s0  }
0x18: {  	s0 =	sld [smem:$0x3F9D];
	_ =	swait.ge [sflag:s4], $0x0  }
0x19: {  	s7 =	sld [smem:$0x3F9E]  }
0x1a: {  	s8 =	sadd.s32 $0xFFFFE003, lr  }
0x1b: {  	s9 =	sadd.s32 $0xFFFFFEF7, lr;
	s5 =	simm.s32 $0xFFFFFFFF;
	p2 =	slt.u32 s8, $0xFFFFF086  }
0x1c: {  	p1 =	slt.u32 s9, $0xF7A;
	s5 =	simm.s32 @!p2 $0x0  }
0x1d: {  	s5 =	simm.s32 @p1 $0x1;
	p0 =	seq.s32 s7, s2  }
0x1e: {  	s7 =	smul.u32 @!p0 $0xF7A, s2;
	p2 =	seq.s32 @!p0 s5, $0x0  }
0x1f: {  	s9 =	smul.u32 $0xF7A, s1;
	s8 =	simm.s32 @!p0 $0x1BF5;
	p2 =	por !p2, p0  }
0x20: {  	[sflag:s8] =	ssyncset.s32 @!p0 $0xFFFFF086;
	s6 =	sadd.s32 @!p0 s3, s7;
	s7 =	simm.s32 @!p0 $0x108  }
0x21: {  	s3 =	sadd.s32 s3, s9;
	s6 =	sadd.s32 @!p0 $0x88, s6;
	s7 =	simm.s32 @p2 $0x1082  }
0x22: {  	[simem:s7], [sflag:s8] =	dma.local @!p0 [hbm:s6], $0xF7A  }
0x23: {  	s9 =	sor.u32 $0xD0000000, s2;
	s6 =	simm.s32 $0x108;
	_ =	swait.ge @!p0 [sflag:s8], $0x0  }
0x24: {  	s3 =	sadd.s32 $0x88, s3;
	s6 =	simm.s32 @!p1 $0x1082;
	[sflag:s4] =	ssyncset.s32 $0xFFFFF086  }
0x25: {  	[simem:s6], [sflag:s4] =	dma.local [hbm:s3], $0xF7A  }
0x26: {  	[smem:$0x3F9E] =	sst s1;
	(tag) =	ssettag s2;
	_ =	strace s9  }
0x27: {  	s1 =	sld [smem:$0x3FAE]  }
0x28: {  	s2 =	sld [smem:$0x3FAF]  }
0x29: {  	s4 =	sld [smem:$0x3FB1]  }
0x2a: {  	p0 =	seq.s32 s5, $0x0;
	s5 =	sld [smem:$0x3FB2]  }
0x2b: {  	s6 =	sld [smem:$0x3FB3]  }
0x2c: {  	s7 =	sld [smem:$0x3FB4]  }
0x2d: {  	s3 =	simm.s32 $0x108;
	s8 =	sld [smem:$0x3FB5]  }
0x2e: {  	s3 =	simm.s32 @!p0 $0x1082;
	s9 =	sld [smem:$0x3FB6]  }
0x2f: {  	lr =	sadd.s32 s0, s3;
	s0 =	sld [smem:$0x3FAD]  }
0x30: {  	s3 =	sld [smem:$0x3FB0]  }
0x31: {  	[smem:$0x3FB9] =	sst s10  }
0x32: {  	s10 =	sld [smem:$0x3FB7];
	_ =	sdelay $0x3  }
0x33: {  	p0 =	seq.s32 s10, $0x1;
	s10 =	sld [smem:$0x3FB9];
	_ =	sdelay $0x3  }
0x34: {  	[smem:$0x3FB9] =	sst s10  }
0x35: {  	s10 =	sld [smem:$0x3FB8];
	_ =	sdelay $0x3  }
0x36: {  	p1 =	seq.s32 s10, $0x1;
	s10 =	sld [smem:$0x3FB9];
	_ =	sdelay $0x3  }
0x37: {  	[smem:$0x3FB9] =	sst s10  }
0x38: {  	s10 =	sld [smem:$0x3FBA]  }
0x39: {  	_ = 	snop;
	(pc) =	sbr.ind lr, $3  }
0x3a: {  	_ = 	snop  }
0x3b: {  	_ = 	snop  }
0x3c: {  	p2 =	seq.s32 s10, $0x1;
	s10 =	sld [smem:$0x3FB9]  }
0x3d: {  	_ =	shalt  }
0x3e: {  	_ =	shalt  }
0x3f: {  	_ =	shalt  }
0x40: {  	_ =	shalt  }
0x41: {  	_ =	shalt  }
0x42: {  	_ =	shalt  }
0x43: {  	_ =	shalt  }
0x44: {  	_ =	shalt  }
0x45: {  	_ =	shalt  }
0x46: {  	_ =	shalt  }
0x47: {  	_ =	shalt  }
0x48: {  	_ =	shalt  }
0x49: {  	_ =	shalt  }
0x4a: {  	_ =	shalt  }
0x4b: {  	_ =	shalt  }
0x4c: {  	_ =	shalt  }
0x4d: {  	_ =	shalt  }
0x4e: {  	_ =	shalt  }
0x4f: {  	_ =	shalt  }
0x50: {  	_ =	shalt  }
0x51: {  	_ =	shalt  }
0x52: {  	_ =	shalt  }
0x53: {  	_ =	shalt  }
0x54: {  	_ =	shalt  }
0x55: {  	_ =	shalt  }
0x56: {  	_ =	shalt  }
0x57: {  	_ =	shalt  }
0x58: {  	_ =	shalt  }
0x59: {  	_ =	shalt  }
0x5a: {  	_ =	shalt  }
0x5b: {  	_ =	shalt  }
0x5c: {  	_ =	shalt  }
0x5d: {  	_ =	shalt  }
0x5e: {  	_ =	shalt  }
0x5f: {  	_ =	shalt  }
0x60: {  	_ =	shalt  }
0x61: {  	_ =	shalt  }
0x62: {  	_ =	shalt  }
0x63: {  	_ =	shalt  }
0x64: {  	_ =	shalt  }
0x65: {  	_ =	shalt  }
0x66: {  	_ =	shalt  }
0x67: {  	_ =	shalt  }
0x68: {  	_ =	shalt  }
0x69: {  	_ =	shalt  }
0x6a: {  	_ =	shalt  }
0x6b: {  	_ =	shalt  }
0x6c: {  	_ =	shalt  }
0x6d: {  	_ =	shalt  }
0x6e: {  	_ =	shalt  }
0x6f: {  	_ =	shalt  }
0x70: {  	_ =	shalt  }
0x71: {  	_ =	shalt  }
0x72: {  	_ =	shalt  }
0x73: {  	_ =	shalt  }
0x74: {  	_ =	shalt  }
0x75: {  	_ =	shalt  }
0x76: {  	_ =	shalt  }
0x77: {  	_ =	shalt  }
0x78: {  	_ =	shalt  }
0x79: {  	_ =	shalt  }
0x7a: {  	_ =	shalt  }
0x7b: {  	_ =	shalt  }
0x7c: {  	_ =	shalt  }
0x7d: {  	_ =	shalt  }
0x7e: {  	_ =	shalt  }
0x7f: {  	_ =	shalt  }
0x80: {  	_ =	shalt  }
0x81: {  	_ =	shalt  }
0x82: {  	_ =	shalt  }
0x83: {  	_ =	shalt  }
0x84: {  	_ =	shalt  }
0x85: {  	_ =	shalt  }
0x86: {  	_ =	shalt  }
0x87: {  	_ =	shalt  }
.Lfunc_end0:
.L_simem_size_0:
called_computation_lowered:
.L_overlay_start_0:
0x88: {  	s2 =	sld [smem:$0x3FD9]  }
0x89: {  	s3 =	sld [smem:$0x3FFE];
	_ =	sdelay $0x1  }
0x8a: {  	s1 =	srdreg.scid  }
0x8b: {  	s0 =	sand.u32 $0x1, s1  }
0x8c: {  	s15 =	sshll.u32 s0, $0xA;
	s2 =	sadd.s32 s3, s2  }
0x8d: {  	s2 =	sadd.s32 s2, s15  }
0x8e: {  	[smem:$0x3FC5] =	sst s2  }
0x8f: {  	_ = 	snop  }
0x90: {  	s2 =	sld [smem:$0x3FD0];
	_ =	sdelay $0x2  }
0x91: {  	s16 =	simm.s32 $0xA;
	s4 =	simm.s32 $0x10  }
0x92: {  	[smem:s4], [sflag:s16] =	dma.local [hbm:s2], $0x1  }
0x93: {  	_ =	swait.eq [sflag:s16], $0x1  }
0x94: {  	[sflag:s16] =	ssyncset.done $0x0  }
0x95: {  	s17 =	sld [smem:$0x10];
	[sflag:s16] =	ssyncadd.s32 $0xFFFFFFFF  }
0x96: {  	s18 =	sld [smem:$0x11];
	(tm) =	ssettm $0x1  }
0x97: {  	s19 =	sld [smem:$0x3FFB];
	_ =	sdelay $0x3  }
0x98: {  	_ =	strace s19  }
0x99: {  	s4 =	sld [smem:$0x3FFC];
	_ =	sdelay $0x3  }
0x9a: {  	_ =	strace s4  }
0x9b: {  	s4 =	sld [smem:$0x3FFD];
	_ =	sdelay $0x3  }
0x9c: {  	_ =	strace s4  }
0x9d: {  	_ =	strace $0x8FFFFFFF  }
0x9e: {  	s20 =	sld [smem:$0x3FDB];
	_ =	sdelay $0x1  }
0x9f: {  	s5 =	simm.s32 $_scs_section_size  }
0xa0: {  	s6 =	simm.s32 $_size__tile_overlayer_lowered;
	s7 =	simm.s32 $_tile_overlayer_lowered  }
0xa1: {  	s23 =	simm.s32 $0x1BFF;
	s22 =	sshll.u32 s7, $0x1;
	s4 =	sadd.s32 s5, s20  }
0xa2: {  	s8 =	simm.s32 $0x0;
	s21 =	sshll.u32 s6, $0x1;
	s6 =	sadd.s32 s22, s4  }
0xa3: {  	[timem:s8], [sflag:s23] =	dma.local [hbm:s6], s21  }
0xa4: {  	_ =	swait.ge [sflag:s23], s21  }
0xa5: {  	s5 =	ssub.s32 $0x0, s21;
	[sflag:s23] =	ssyncset.done $0x0  }
0xa6: {  	[sflag:s23] =	ssyncadd.s32 s5;
	_ =	sdelay $0x1  }
0xa7: {  	s24 =	simm.s32 $0x1B8B  }
0xa8: {  	_ =	swait.ge [sflag:s24], $0x1  }
0xa9: {  	[sflag:s24] =	ssyncset.done $0x0  }
0xaa: {  	s25 =	simm.s32 $0x1B8E;
	[sflag:s24] =	ssyncadd.s32 $0xFFFFFFFF  }
0xab: {  	s26 =	simm.s32 $execute0_lowered;
	[smem:$0x3FD2] =	sst s25  }
0xac: {  	s5 =	sshll.u32 s26, $0x1;
	_ =	strace $0x80000046;
	[dreg:$0x1] =	wrdreg $0xFFFFFFFF  }
0xad: {  	s28 =	simm.s32 $_size_execute0_lowered;
	s4 =	sadd.s32 s4, s5;
	[dreg:$0x0] =	wrdreg $0x0  }
0xae: {  	s5 =	sshll.u32 s28, $0x1;
	[dreg:$0x2] =	wrdreg s4  }
0xaf: {  	[dreg:$0x3] =	wrdreg s5  }
0xb0: {  	[dreg:$0x4] =	wrdreg $0xC0  }
0xb1: {  	_ =	task [dreg:s8], $0x5FFFF  }
0xb2: {  	[dreg:$0x1] =	wrdreg $0xFFFFFFFF  }
0xb3: {  	[dreg:$0x0] =	wrdreg $0x60  }
0xb4: {  	[dreg:$0x2] =	wrdreg s18  }
0xb5: {  	[dreg:$0x3] =	wrdreg s17  }
0xb6: {  	[dreg:$0x4] =	wrdreg $0x9  }
0xb7: {  	_ =	task.clear_ibuf [dreg:s8], $0x5FFFF;
	_ =	strace $0x90000046  }
0xb8: {  	s29 =	simm.s32 $0x9;
	_ =	strace $0x80000048  }
0xb9: {  	_ =	swait.ge [sflag:s29], $0x1  }
0xba: {  	[sflag:s29] =	ssyncadd.s32 $0xFFFFFFFF  }
0xbb: {  	_ =	strace $0x90000048  }
0xbc: {  	_ =	sfence  }
0xbd: {  	s30 =	sld [smem:$0x0];
	_ =	sdelay $0x2  }
0xbe: {  	s31 =	sshll.u32 s1, $0xD;
	s1 =	sshrl.u32 s1, $0x2  }
0xbf: {  	s3 =	sand.u32 $0x4000, s31;
	s1 =	sadd.s32 s1, s30  }
0xc0: {  	s0 =	sor.u32 s3, s0;
	s1 =	sshll.u32 s1, $0x11  }
0xc1: {  	s0 =	sor.u32 s1, s0  }
0xc2: {  	s0 =	sadd.s32 $0x8F2B, s0  }
0xc3: {  	[sflag:s0] =	ssyncadd.remote.s32 $0x1  }
0xc4: {  	_ =	sfence.sel $0xFFFF  }
0xc5: {  	[dreg:$0x0] =	wrdreg $0xFFFFFFFF;
	(pc) =	sbr.abs _section_cstart, $3  }
0xc6: {  	[dreg:$0x1] =	wrdreg $0xFFFFFFFF  }
0xc7: {  	_ =	task.clear_ibuf [dreg:s8], $0x2FFFF;
	_ =	strace $0x9FFFFFFF  }
0xc8: {  	(tm) =	ssettm $0x7FFFFFFF  }
0xc9: {  	_ =	shalt  }
tec
execute0_lowered:
.L_overlay_start_1:
0x0: {  	(tag) =	ssettag $0x1  }
0x1: {  	s1 =	srdreg.scid;
	s3 =	rddreg [dreg:$0x0]  }
0x2: {  	s0 =	stileid.u32;
	s5 =	rddreg [dreg:$0x1];
	s2 =	simm.s32 $0x0  }
0x3: {  	s9 =	simm.s32 $0x6380;
	s4 =	sand.u32 $0x1, s1;
	s30 =	sshll.u32 s0, $0x1  }
0x4: {  	s10 =	simm.s32 $0x2780;
	s11 =	simm.s32 $0x0;
	s6 =	sor.u32 s4, s30  }
0x5: {  	s1 =	rddreg [dreg:$0x2];
	s4 =	ssub.s32 $0x2, s4;
	s7 =	smul.u32 $0x1388, s6  }
0x6: {  	v0 =	vlaneseq.u32;
	[smem:$0x7FF] =	sst s2;
	s6 =	smul.u32 $0x500, s6;
	s8 =	sshrl.u32 s4, $0x1  }
0x7: {  	v0 =	vmul.u32 $0x2, v0;
	_ =	strace $0x80000047;
	s31 =	ssub.s32 s4, s8;
	s7 =	sshrl.u32 s7, $0x3  }
0x8: {  	v3 =	vimm.s32 $0x0;
	s8 =	simm.s32 $0x1;
	s5 =	sadd.s32 s5, s6;
	s3 =	sadd.s32 s3, s7  }
0x9: {  	v4 =	vimm.s32 $0x1;
	v1 =	vor.u32 $0x2700, v0;
	v2 =	vor.u32 $0x2701, v0;
	s6 =	smax.u32 s31, $0x1;
	s7 =	simm.s32 $0x4F80;
	s4 =	sadd.s32 $0x4E20, s3  }
.LBB2_1:
0xa: {  	[tilespmem:s7], [sflag:$0x1] =	stream.linear.gather [hbm4b:s3+s2], $0x1390, $0x38;
	[tilespmem:$0x7780] =	vst v63  }
0xb: {  	_ =	swait.ge [sflag:s8], $0x1390  }
0xc: {  	[sflag:s8] =	ssyncset.done $0x0  }
0xd: {  	[sflag:s8] =	ssyncadd.s32 $0xFFFFEC70  }
0xe: {  	[tilespmem:s9], [sflag:$0x1] =	stream.linear.gather [hbm4b:s4+s2], $0x1390, $0x38;
	[tilespmem:$0x7780] =	vst v63  }
0xf: {  	_ =	swait.ge [sflag:s8], $0x1390  }
0x10: {  	v5 =	vmov s2;
	[sflag:s8] =	ssyncset.done $0x0  }
0x11: {  	s12 =	simm.s32 $0x4FA0;
	v5 =	vshll.u32 v5, $0x1;
	[sflag:s8] =	ssyncadd.s32 $0xFFFFEC70  }
0x12: {  	v5 =	vor.u32 v0, v5;
	v6 =	vld [tilespmem:s12+$0xFFFFFFE0];
	_ =	sdelay $0x4  }
0x13: {  	s13 =	simm.s32 $0x63A0;
	[tilespmem:v5+s2+$0x0] =	vst.idx.msk $0xffff, v6  }
0x14: {  	v5 =	vor.u32 $0x1, v5;
	v6 =	vld [tilespmem:s13+$0xFFFFFFE0];
	_ =	sdelay $0x2  }
0x15: {  	s14 =	simm.s32 $0x10  }
0x16: {  	v7 =	vmov s14  }
0x17: {  	[tilespmem:v5+s2+$0x0] =	vst.idx.msk $0xffff, v6;
	v5 =	vshll.u32 v7, $0x1  }
0x18: {  	v5 =	vor.u32 v0, v5;
	v6 =	vld [tilespmem:s12+$0xFFFFFFF0];
	_ =	sdelay $0x4  }
0x19: {  	[tilespmem:v5+s2+$0x0] =	vst.idx.msk $0xffff, v6  }
0x1a: {  	v5 =	vor.u32 $0x1, v5;
	v6 =	vld [tilespmem:s13+$0xFFFFFFF0];
	_ =	sdelay $0x2  }
0x1b: {  	s30 =	simm.s32 $0x20  }
0x1c: {  	v7 =	vmov s30  }
0x1d: {  	[tilespmem:v5+s2+$0x0] =	vst.idx.msk $0xffff, v6;
	v5 =	vshll.u32 v7, $0x1  }
0x1e: {  	v5 =	vor.u32 v0, v5;
	v6 =	vld [tilespmem:s12+$0x0];
	_ =	sdelay $0x4  }
0x1f: {  	[tilespmem:v5+s2+$0x0] =	vst.idx.msk $0xffff, v6  }
0x20: {  	v5 =	vor.u32 $0x1, v5;
	v6 =	vld [tilespmem:s13+$0x0];
	_ =	sdelay $0x2  }
0x21: {  	s31 =	simm.s32 $0x30  }
0x22: {  	v7 =	vmov s31  }
0x23: {  	[tilespmem:v5+s2+$0x0] =	vst.idx.msk $0xffff, v6;
	v5 =	vshll.u32 v7, $0x1  }
0x24: {  	v6 =	vor.u32 v0, v5;
	v5 =	vld [tilespmem:s12+$0x10];
	_ =	sdelay $0x4  }
0x25: {  	[tilespmem:v6+s2+$0x0] =	vst.idx.msk $0xffff, v5  }
0x26: {  	v6 =	vor.u32 $0x1, v6;
	v5 =	vld [tilespmem:s13+$0x10];
	_ =	sdelay $0x2  }
0x27: {  	s15 =	simm.s32 $0x40;
	s14 =	simm.s32 $0x0  }
.LBB2_2:
0x28: {  	v7 =	vmov s15;
	s14 =	sadd.s32 $0x4, s14  }
0x29: {  	s12 =	sadd.s32 $0x40, s12;
	v7 =	vshll.u32 v7, $0x1;
	p0 =	slt.u32 s14, $0x134;
	[tilespmem:v6+s2+$0x0] =	vst.idx.msk $0xffff, v5  }
0x2a: {  	v5 =	vor.u32 v0, v7;
	v6 =	vld [tilespmem:s12+$0xFFFFFFE0];
	_ =	sdelay $0x4  }
0x2b: {  	s13 =	sadd.s32 $0x40, s13;
	[tilespmem:v5+s2+$0x0] =	vst.idx.msk $0xffff, v6  }
0x2c: {  	v5 =	vor.u32 $0x1, v5;
	v6 =	vld [tilespmem:s13+$0xFFFFFFE0];
	_ =	sdelay $0x2  }
0x2d: {  	s16 =	sadd.s32 $0x10, s15  }
0x2e: {  	v7 =	vmov s16  }
0x2f: {  	[tilespmem:v5+s2+$0x0] =	vst.idx.msk $0xffff, v6;
	v5 =	vshll.u32 v7, $0x1  }
0x30: {  	v5 =	vor.u32 v0, v5;
	v6 =	vld [tilespmem:s12+$0xFFFFFFF0];
	_ =	sdelay $0x4  }
0x31: {  	[tilespmem:v5+s2+$0x0] =	vst.idx.msk $0xffff, v6  }
0x32: {  	v5 =	vor.u32 $0x1, v5;
	v6 =	vld [tilespmem:s13+$0xFFFFFFF0];
	_ =	sdelay $0x2  }
0x33: {  	s16 =	sadd.s32 $0x20, s15  }
0x34: {  	v7 =	vmov s16  }
0x35: {  	[tilespmem:v5+s2+$0x0] =	vst.idx.msk $0xffff, v6;
	v5 =	vshll.u32 v7, $0x1  }
0x36: {  	v5 =	vor.u32 v0, v5;
	v6 =	vld [tilespmem:s12+$0x0];
	_ =	sdelay $0x4  }
0x37: {  	[tilespmem:v5+s2+$0x0] =	vst.idx.msk $0xffff, v6  }
0x38: {  	v5 =	vor.u32 $0x1, v5;
	v6 =	vld [tilespmem:s13+$0x0];
	_ =	sdelay $0x2  }
0x39: {  	s16 =	sadd.s32 $0x30, s15  }
0x3a: {  	v7 =	vmov s16  }
0x3b: {  	[tilespmem:v5+s2+$0x0] =	vst.idx.msk $0xffff, v6;
	v5 =	vshll.u32 v7, $0x1  }
0x3c: {  	v6 =	vor.u32 v0, v5;
	v5 =	vld [tilespmem:s12+$0x10];
	_ =	sdelay $0x4  }
.Ltmp0:
0x3d: {  	[tilespmem:v6+s2+$0x0] =	vst.idx.msk $0xffff, v5;
	(pc) =	sbr.rel @p0 .LBB2_2-.Ltmp0, $2  }
0x3e: {  	v6 =	vor.u32 $0x1, v6;
	v5 =	vld [tilespmem:s13+$0x10];
	_ =	sdelay $0x2  }
0x3f: {  	s15 =	sadd.s32 $0x40, s15  }
0x40: {  	_ =	sdelay $0x3  }
0x41: {  	[tilespmem:v6+s2+$0x0] =	vst.idx.msk $0xffff, v5  }
0x42: {  	v5 =	vld [tilespmem:$0x6300];
	_ =	sdelay $0x3  }
0x43: {  	s14 =	simm.s32 $0x0  }
0x44: {  	[tilespmem:v1+s14+$0x0] =	vst.idx.msk $0xffff, v5  }
0x45: {  	v5 =	vld [tilespmem:$0x7700];
	_ =	sdelay $0x4  }
0x46: {  	s12 =	simm.s32 $0xFFFFFFFC;
	s16 =	simm.s32 $0x0;
	s15 =	sand.u32 $0x3FC0, s14;
	[tilespmem:v2+s14+$0x0] =	vst.idx.msk $0xffff, v5  }
.LBB2_4:
0x47: {  	s16 =	sadd.s32 $0x4, s16  }
0x48: {  	[tilespmem:s15+$0x27B0] =	vst v3;
	s14 =	sadd.s32 $0x40, s14;
	s13 =	simm.s32 $0x20;
	p0 =	slt.u32 s16, $0x27C  }
.Ltmp1:
0x49: {  	[tilespmem:s15+$0x27A0] =	vst v3;
	(pc) =	sbr.rel @p0 .LBB2_4-.Ltmp1, $3  }
0x4a: {  	[tilespmem:s15+$0x2780] =	vst v3  }
0x4b: {  	[tilespmem:s15+$0x2790] =	vst v3;
	_ =	sdelay $0x1  }
0x4c: {  	s15 =	sand.u32 $0x3FC0, s14  }
0x4d: {  	[tilespmem:s15+$0x27B0] =	vst v3  }
0x4e: {  	[tilespmem:s15+$0x27A0] =	vst v3  }
0x4f: {  	[tilespmem:s15+$0x2780] =	vst v3  }
0x50: {  	[tilespmem:s15+$0x2790] =	vst v3  }
.LBB2_6:
0x51: {  	v5 =	vld [tilespmem:s13+$0xFFFFFFE0];
	_ =	sdelay $0x7  }
0x52: {  	[tilespmem:v5+s10+$0x0] =	vst.idx.add.s32.msk $0xffff, v4  }
0x53: {  	v5 =	vld [tilespmem:s13+$0xFFFFFFF0];
	_ =	sdelay $0x7  }
0x54: {  	[tilespmem:v5+s10+$0x0] =	vst.idx.add.s32.msk $0xffff, v4  }
0x55: {  	v5 =	vld [tilespmem:s13+$0x0];
	_ =	sdelay $0x7  }
0x56: {  	[tilespmem:v5+s10+$0x0] =	vst.idx.add.s32.msk $0xffff, v4  }
0x57: {  	v5 =	vld [tilespmem:s13+$0x10];
	_ =	sdelay $0x1  }
0x58: {  	s12 =	sadd.s32 $0x4, s12  }
0x59: {  	p0 =	slt.u32 s12, $0x26C  }
.Ltmp2:
0x5a: {  	_ = 	snop;
	(pc) =	sbr.rel @p0 .LBB2_6-.Ltmp2, $2  }
0x5b: {  	_ =	sdelay $0x2  }
0x5c: {  	s13 =	sadd.s32 $0x40, s13;
	[tilespmem:v5+s10+$0x0] =	vst.idx.add.s32.msk $0xffff, v4  }
0x5d: {  	v5 =	vld [tilespmem:$0x2700];
	_ =	sdelay $0x5  }
0x5e: {  	s11 =	sadd.s32 $0x1, s11  }
0x5f: {  	p0 =	sne.s32 s11, s6  }
.Ltmp3:
0x60: {  	[tilespmem:v5+s10+$0x0] =	vst.idx.add.s32.msk $0xffff, v4;
	(pc) =	sbr.rel @p0 .LBB2_1-.Ltmp3, $4  }
0x61: {  	[hbm4b:s5+s2] =	stream.linear.scatter [tilespmem:s10], [sflag:$0x1], $0x2800, $0x38;
	[tilespmem:$0x7780] =	vst v63  }
0x62: {  	_ =	swait.ge [sflag:s8], $0x2800  }
0x63: {  	[sflag:s8] =	ssyncset.done $0x0  }
0x64: {  	[sflag:s8] =	ssyncadd.s32 $0xFFFFD800  }
0x65: {  	_ =	sfence.sel $0x180000  }
0x66: {  	[bflag:$0x0] =	sbarrier.arrive $0xFFFF  }
0x67: {  	p0 =	sne.s32 s0, $0x0;
	_ =	strace $0x90000047  }
0x68: {  	s0 =	sadd.s32 @!p0 $0x100000, s1;
	[bflag:$0x2] =	sbarrier.arrive $0xFFFF  }
0x69: {  	[sflag:s0] =	ssyncadd.tile.s32 @!p0 $0x1;
	_ =	shalt  }
.Lfunc_end2:
_tile_overlayer_lowered:
.L_overlay_start_2:
0x6a: {  	(tag) =	ssettag $0x2  }
0x6b: {  	s0 =	rddreg [dreg:$0x0];
	s2 =	stileid.u32  }
0x6c: {  	s1 =	rddreg [dreg:$0x1];
	p0 =	sne.s32 s2, $0x0  }
0x6d: {  	s3 =	rddreg [dreg:$0x2];
	[bflag:$0x3] =	sbarrier.arrive $0xFFFF;
	s2 =	simm.s32 @!p0 $0x1C01  }
0x6e: {  	[timem:s3], [sflag:s2] =	dma.local @!p0 [hbm:s0], s1  }
0x6f: {  	s0 =	simm.s32 @!p0 $0x1  }
0x70: {  	_ =	swait.ge @!p0 [sflag:s0], s1  }
0x71: {  	s1 =	ssub.s32 @!p0 $0x0, s1;
	[sflag:s0] =	ssyncset.done @!p0 $0x0  }
0x72: {  	[sflag:s0] =	ssyncadd.s32 @!p0 s1  }
0x73: {  	[bflag:$0x3] =	sbarrier.arrive $0xFFFF  }
0x74: {  	_ =	shalt  }

</sc_bundles>
